<compile_context>
chip_gen: v7x
topology: tpu7x:2x2x1
jax: 0.10.2.dev20260603
libtpu: 0.0.44.dev20260713+nightly
codegen_flags: <defaults>
</compile_context>

<pallas_src>
import functools

import jax
import jax.numpy as jnp
from jax import lax
from jax.experimental import pallas as pl
from jax.experimental.pallas import tpu as pltpu
from jax.experimental.pallas import tpu_sc as plsc

E = 64
D = 768
F = 1024
T = 2048
C = max(int(round(1.0 * T / E)), 4)
SLOTS = E * C

TB = 256

NC = 2
NS = 16
L = 16
NW = NC * NS
SPT = SLOTS // NW
TPW = T // NW


SB = 256
PH = T // TB


def _route_invert_body(x_ref, wr_ref, slot_ref, gate_ref, tos_ref, gs_ref,
                       carry_ref, slot_sc, gate_sc):
    i = pl.program_id(0)

    @pl.when(i == 0)
    def _():
        carry_ref[...] = jnp.zeros_like(carry_ref)

    @pl.when(i < PH)
    def _():
        x = x_ref[...]
        logits = jnp.dot(x, wr_ref[...], preferred_element_type=jnp.float32)
        m = jnp.max(logits, axis=1, keepdims=True)
        s = jnp.sum(jnp.exp(logits - m), axis=1, keepdims=True)
        gate = 1.0 / s

        iota_e = lax.broadcasted_iota(jnp.int32, (TB, E), 1)
        is_max = logits == m
        e_idx = jnp.min(jnp.where(is_max, iota_e, E), axis=1, keepdims=True)
        oh = (iota_e == e_idx).astype(jnp.float32)

        r = lax.broadcasted_iota(jnp.int32, (TB, TB), 0)
        c = lax.broadcasted_iota(jnp.int32, (TB, TB), 1)
        tri = (c <= r).astype(jnp.float32)
        prefix = jnp.dot(tri, oh, preferred_element_type=jnp.float32) + carry_ref[...]
        carry_ref[...] = carry_ref[...] + jnp.sum(oh, axis=0, keepdims=True)

        pos = jnp.sum(prefix * oh, axis=1, keepdims=True) - 1.0
        valid = pos < C
        posi = jnp.minimum(pos, C - 1).astype(jnp.int32)
        r_iota = lax.broadcasted_iota(jnp.int32, (TB, 1), 0)
        slot = jnp.where(valid, e_idx * C + posi + C, r_iota & (C - 1))
        srow = slot.reshape(1, TB)
        grow = gate.reshape(1, TB)
        slot_ref[...] = srow
        gate_ref[...] = grow
        idx = i * TB
        slot_sc[0, pl.ds(idx, TB)] = srow[0, :]
        gate_sc[0, pl.ds(idx, TB)] = grow[0, :]

    @pl.when(i >= PH)
    def _():
        k = i - PH
        slot_d = slot_sc[...] - C
        s_iota = k * SB + lax.broadcasted_iota(jnp.int32, (SB, T), 0)
        mk = (s_iota == slot_d).astype(jnp.float32)
        t_iota = lax.broadcasted_iota(jnp.int32, (SB, T), 1).astype(jnp.float32)
        tos = jnp.sum(mk * t_iota, axis=1, keepdims=True).astype(jnp.int32)
        cnt = jnp.sum(mk, axis=1, keepdims=True)
        s_col = k * SB + lax.broadcasted_iota(jnp.int32, (SB, 1), 0)
        tos_ref[...] = jnp.where(cnt > 0.0, tos, s_col).reshape(1, SB)
        gs_ref[...] = jnp.sum(mk * gate_sc[...], axis=1, keepdims=True)


def _route_invert(x, w_router):
    return pl.pallas_call(
        _route_invert_body,
        grid=(PH + SLOTS // SB,),
        in_specs=[
            pl.BlockSpec((TB, D), lambda i: (jnp.minimum(i, PH - 1), 0)),
            pl.BlockSpec((D, E), lambda i: (0, 0)),
        ],
        out_specs=[
            pl.BlockSpec((1, TB), lambda i: (0, jnp.minimum(i, PH - 1))),
            pl.BlockSpec((1, TB), lambda i: (0, jnp.minimum(i, PH - 1))),
            pl.BlockSpec((1, SB), lambda i: (0, jnp.maximum(i - PH, 0))),
            pl.BlockSpec((SB, 1), lambda i: (jnp.maximum(i - PH, 0), 0)),
        ],
        out_shape=[
            jax.ShapeDtypeStruct((1, T), jnp.int32),
            jax.ShapeDtypeStruct((1, T), jnp.float32),
            jax.ShapeDtypeStruct((1, SLOTS), jnp.int32),
            jax.ShapeDtypeStruct((SLOTS, 1), jnp.float32),
        ],
        scratch_shapes=[
            pltpu.VMEM((1, E), jnp.float32),
            pltpu.VMEM((1, T), jnp.int32),
            pltpu.VMEM((1, T), jnp.float32),
        ],
    )(x, w_router)


def _dispatch_body(tos_hbm, x_hbm, ei_hbm, idx_v, rows_v, sem):
    cid = lax.axis_index("c")
    sid = lax.axis_index("s")
    base = (sid * NC + cid) * SPT
    pltpu.sync_copy(tos_hbm.at[pl.ds(base, SPT)], idx_v)
    pltpu.async_copy(x_hbm.at[idx_v], rows_v, sem).wait()
    pltpu.sync_copy(rows_v, ei_hbm.at[pl.ds(base, SPT)])


def _dispatch(tos, x):
    mesh = plsc.VectorSubcoreMesh(
        core_axis_name="c", subcore_axis_name="s", num_cores=NC, num_subcores=NS)
    return pl.kernel(
        _dispatch_body,
        out_type=jax.ShapeDtypeStruct((SLOTS, D), jnp.float32),
        mesh=mesh,
        compiler_params=pltpu.CompilerParams(needs_layout_passes=False),
        scratch_types=[
            pltpu.VMEM((SPT,), jnp.int32),
            pltpu.VMEM((SPT, D), jnp.float32),
            pltpu.SemaphoreType.DMA,
        ],
    )(tos, x)


def _ffn_body(ei_ref, w1_ref, b1_ref, w2_ref, b2_ref, gs_ref, eo_ref):
    s = pl.program_id(0)

    @pl.when(s == 0)
    def _():
        eo_ref[...] = jnp.zeros_like(eo_ref)

    @pl.when(s > 0)
    def _():
        a = ei_ref[0]
        h = jnp.dot(a, w1_ref[0], preferred_element_type=jnp.float32) + b1_ref[0]
        h = jnp.maximum(h, 0.0)
        o = jnp.dot(h, w2_ref[0], preferred_element_type=jnp.float32) + b2_ref[0]
        eo_ref[0] = o * gs_ref[0]


def _ffn(ei, w1, b1, w2, b2, gs):
    em = lambda s: (jnp.maximum(s - 1, 0), 0, 0)
    return pl.pallas_call(
        _ffn_body,
        grid=(E + 1,),
        in_specs=[
            pl.BlockSpec((1, C, D), em),
            pl.BlockSpec((1, D, F), em),
            pl.BlockSpec((1, 1, F), em),
            pl.BlockSpec((1, F, D), em),
            pl.BlockSpec((1, 1, D), em),
            pl.BlockSpec((1, C, 1), em),
        ],
        out_specs=pl.BlockSpec((1, C, D), lambda s: (s, 0, 0)),
        out_shape=jax.ShapeDtypeStruct((E + 1, C, D), jnp.float32),
    )(ei, w1, b1, w2, b2, gs)


def _combine_body(slot_hbm, eo_hbm, y_hbm, idx_v, rows_v, sem):
    cid = lax.axis_index("c")
    sid = lax.axis_index("s")
    base = (sid * NC + cid) * TPW
    pltpu.sync_copy(slot_hbm.at[pl.ds(base, TPW)], idx_v)
    pltpu.async_copy(eo_hbm.at[idx_v], rows_v, sem).wait()
    pltpu.sync_copy(rows_v, y_hbm.at[pl.ds(base, TPW)])


def _combine(slot, eo):
    mesh = plsc.VectorSubcoreMesh(
        core_axis_name="c", subcore_axis_name="s", num_cores=NC, num_subcores=NS)
    return pl.kernel(
        _combine_body,
        out_type=jax.ShapeDtypeStruct((T, D), jnp.float32),
        mesh=mesh,
        compiler_params=pltpu.CompilerParams(needs_layout_passes=False),
        scratch_types=[
            pltpu.VMEM((TPW,), jnp.int32),
            pltpu.VMEM((TPW, D), jnp.float32),
            pltpu.SemaphoreType.DMA,
        ],
    )(slot, eo)


def kernel(inputs, W_router, W1, b1, W2, b2):
    Bv, Sv, d = inputs.shape
    x = inputs.reshape(T, D)
    slot2, gate2, tos, gs = _route_invert(x, W_router)
    slot = slot2.reshape(T)
    ei = _dispatch(tos.reshape(SLOTS), x)
    eo = _ffn(ei.reshape(E, C, D), W1, b1.reshape(E, 1, F),
              W2, b2.reshape(E, 1, D), gs.reshape(E, C, 1))
    y = _combine(slot, eo.reshape((E + 1) * C, D))
    return y.reshape(Bv, Sv, d)

# --- scband reference (transcript-rebuilt; emitter-appended) ---
"""Pipeline reference for scband-moe-layer-14379550507738 (READ-ONLY COPY).

The authoritative reference and input builder live on the scoring server;
editing this copy changes nothing except your own understanding.
"""

import jax, jax.numpy as jnp
import numpy as np

E = 64
TOP_K = 1
D_MODEL = 768
D_FF = 1024
B = 1
S = 2048
CAPACITY_FACTOR = 1.0
MIN_CAP = 4


def setup_inputs(seed: int = 0):
    key = jax.random.key(seed)
    k0, k1, k2, k3 = jax.random.split(key, 4)
    inputs = jax.random.normal(k0, (B, S, D_MODEL), dtype=jnp.float32)
    W_router = jax.random.normal(k1, (D_MODEL, E), dtype=jnp.float32) * (D_MODEL ** -0.5)
    W1 = jax.random.normal(k2, (E, D_MODEL, D_FF), dtype=jnp.float32) * (D_MODEL ** -0.5)
    b1 = jnp.zeros((E, D_FF), dtype=jnp.float32)
    W2 = jax.random.normal(k3, (E, D_FF, D_MODEL), dtype=jnp.float32) * (D_FF ** -0.5)
    b2 = jnp.zeros((E, D_MODEL), dtype=jnp.float32)
    return {"inputs": inputs, "W_router": W_router, "W1": W1, "b1": b1, "W2": W2, "b2": b2}


def _moe_forward(inputs, W_router, W1, b1, W2, b2):
    Bv, Sv, d = inputs.shape
    tokens_per_group = Bv * Sv
    capacity = max(int(round(CAPACITY_FACTOR * tokens_per_group / E)), MIN_CAP)
    g = 1
    t = tokens_per_group
    x = inputs.reshape(g, t, d)
    # Masked tokens-choose router (Switch-style)
    router_logits = jnp.einsum('gtd,de->gte', x, W_router)
    router_probs = jax.nn.softmax(router_logits, axis=-1)
    gate, idx = jax.lax.top_k(router_probs, TOP_K)  # [g, t, k]
    # priority of each token within its chosen expert's capacity buffer;
    # top-1 choices of all tokens take precedence over top-2, etc.
    idx_t = jnp.transpose(idx, (0, 2, 1)).reshape(g, TOP_K * t)
    oh = jax.nn.one_hot(idx_t, E, dtype=jnp.float32)  # [g, k*t, e]
    pos = jnp.cumsum(oh, axis=1) * oh - 1.0
    pos = pos.reshape(g, TOP_K, t, E).transpose(0, 2, 1, 3)  # [g, t, k, e]
    token_priority = jnp.max(pos, axis=2)  # [g, t, e]; -1 if not routed
    # one_hot of out-of-range / negative indices gives all-zero rows -> dropped tokens
    dispatch_mask = jax.nn.one_hot(token_priority.astype(jnp.int32), capacity, dtype=jnp.float32)  # [g,t,e,c]
    combine_array = jnp.einsum('gte,gtec->gtec', router_probs, dispatch_mask)
    # dispatch tokens to expert buffers: 'gt...,gtec->gec...'
    expert_inputs = jnp.einsum('gtd,gtec->gecd', x, dispatch_mask)
    # _call_experts with num_groups=1 (all-to-all is identity): per-expert FFN
    ei = expert_inputs.transpose(1, 0, 2, 3).reshape(E, g * capacity, d)
    h = jax.nn.relu(jnp.einsum('ecd,edf->ecf', ei, W1) + b1[:, None, :])
    eo = jnp.einsum('ecf,efd->ecd', h, W2) + b2[:, None, :]
    expert_outputs = eo.reshape(E, g, capacity, d).transpose(1, 0, 2, 3)  # [g,e,c,d]
    # combine: 'gec...,gtec->gt...'
    combined = jnp.einsum('gecd,gtec->gtd', expert_outputs, combine_array)
    return combined.reshape(Bv, Sv, d)


def reference(inputs, W_router, W1, b1, W2, b2):
    return _moe_forward(inputs, W_router, W1, b1, W2, b2)

if __name__ == "__main__":
    import jax
    _d = setup_inputs()
    print(jax.jit(kernel)(*tuple(_d.values())))

</pallas_src>

<mosaic_0001>
#map = affine_map<(d0, d1) -> (0)>
#map1 = affine_map<(d0, d1) -> (0, 0)>
module attributes {stable_mosaic.version = 14 : i64} {
  func.func @_dispatch_body(%arg0: i32, %arg1: i32, %arg2: memref<2048xi32, #tpu.memory_space<hbm>>, %arg3: memref<2048x768xf32, #tpu.memory_space<hbm>>, %arg4: memref<2048x768xf32, #tpu.memory_space<hbm>>, %arg5: memref<64xi32, #tpu.memory_space<vmem>>, %arg6: memref<64x768xf32, #tpu.memory_space<vmem>>, %arg7: memref<!tpu.dma_semaphore, #tpu.memory_space<semaphore_mem>>) attributes {dimension_semantics = [#tpu.dimension_semantics<core_parallel>, #tpu.dimension_semantics<subcore_parallel>], iteration_bounds = array<i64: 2, 16>, scalar_prefetch = 0 : i64, scratch_operands = 3 : i64, tpu.core_type = #tpu.core_type<sc_vector_subcore>, window_params = [{transform_indices = #map}, {transform_indices = #map1}, {transform_indices = #map1}]} {
    %mul3A = arith.constant 2 : i32
    %mul3A_0 = arith.muli %arg1, %mul3A : i32
    %add3A = arith.addi %mul3A_0, %arg0 : i32
    %mul3A_1 = arith.constant 64 : i32
    %mul3A_2 = arith.muli %add3A, %mul3A_1 : i32
    "tpu.region"() ({
      %run_scoped3A = tpu.sem_alloc : memref<!tpu.dma_semaphore, #tpu.memory_space<semaphore_mem>>
      %dma_start3A_7 = tpu.memref_slice %arg2[%mul3A_2] : memref<2048xi32, #tpu.memory_space<hbm>> -> memref<64xi32, #tpu.memory_space<hbm>>
      %dma_start3A_8 = tpu.memref_slice %arg2[%mul3A_2] : memref<2048xi32, #tpu.memory_space<hbm>> -> memref<64xi32, #tpu.memory_space<hbm>>
      tpu.enqueue_dma source(%dma_start3A_8 : memref<64xi32, #tpu.memory_space<hbm>>) target(%arg5 : memref<64xi32, #tpu.memory_space<vmem>>) target_semaphore(%run_scoped3A : memref<!tpu.dma_semaphore, #tpu.memory_space<semaphore_mem>>)
      %dma_wait3A_9 = tpu.memref_slice %arg2[%mul3A_2] : memref<2048xi32, #tpu.memory_space<hbm>> -> memref<64xi32, #tpu.memory_space<hbm>>
      %dma_wait3A_10 = tpu.memref_slice %arg2[%mul3A_2] : memref<2048xi32, #tpu.memory_space<hbm>> -> memref<64xi32, #tpu.memory_space<hbm>>
      tpu.wait_dma2 semaphore(%run_scoped3A : memref<!tpu.dma_semaphore, #tpu.memory_space<semaphore_mem>>) src(%dma_wait3A_10 : memref<64xi32, #tpu.memory_space<hbm>>) dst(%arg5 : memref<64xi32, #tpu.memory_space<vmem>>)
      tpu.yield
    }) : () -> ()
    %dma_start3A = arith.constant 0 : i32
    %dma_start3A_3 = arith.constant 0 : i32
    %dma_start3A_4 = tpu.memref_slice %arg3[%dma_start3A, %dma_start3A_3] : memref<2048x768xf32, #tpu.memory_space<hbm>> -> memref<2048x768xf32, #tpu.memory_space<hbm>>
    tpu.enqueue_indirect_dma source(%dma_start3A_4 : memref<2048x768xf32, #tpu.memory_space<hbm>>) target(%arg6 : memref<64x768xf32, #tpu.memory_space<vmem>>) offsets(%arg5 : memref<64xi32, #tpu.memory_space<vmem>>) semaphore(%arg7 : memref<!tpu.dma_semaphore, #tpu.memory_space<semaphore_mem>>)
    %dma_wait3A = arith.constant 0 : i32
    %dma_wait3A_5 = arith.constant 0 : i32
    %dma_wait3A_6 = tpu.memref_slice %arg3[%dma_wait3A, %dma_wait3A_5] : memref<2048x768xf32, #tpu.memory_space<hbm>> -> memref<2048x768xf32, #tpu.memory_space<hbm>>
    tpu.wait_indirect_dma semaphore(%arg7 : memref<!tpu.dma_semaphore, #tpu.memory_space<semaphore_mem>>) src(%dma_wait3A_6 : memref<2048x768xf32, #tpu.memory_space<hbm>>) dst(%arg6 : memref<64x768xf32, #tpu.memory_space<vmem>>)
    "tpu.region"() ({
      %run_scoped3A = tpu.sem_alloc : memref<!tpu.dma_semaphore, #tpu.memory_space<semaphore_mem>>
      %dma_start3A_7 = arith.constant 0 : i32
      %dma_start3A_8 = tpu.memref_slice %arg4[%mul3A_2, %dma_start3A_7] : memref<2048x768xf32, #tpu.memory_space<hbm>> -> memref<64x768xf32, #tpu.memory_space<hbm>>
      %dma_start3A_9 = arith.constant 0 : i32
      %dma_start3A_10 = tpu.memref_slice %arg4[%mul3A_2, %dma_start3A_9] : memref<2048x768xf32, #tpu.memory_space<hbm>> -> memref<64x768xf32, #tpu.memory_space<hbm>>
      tpu.enqueue_dma source(%arg6 : memref<64x768xf32, #tpu.memory_space<vmem>>) target(%dma_start3A_10 : memref<64x768xf32, #tpu.memory_space<hbm>>) target_semaphore(%run_scoped3A : memref<!tpu.dma_semaphore, #tpu.memory_space<semaphore_mem>>)
      %dma_wait3A_11 = arith.constant 0 : i32
      %dma_wait3A_12 = tpu.memref_slice %arg4[%mul3A_2, %dma_wait3A_11] : memref<2048x768xf32, #tpu.memory_space<hbm>> -> memref<64x768xf32, #tpu.memory_space<hbm>>
      %dma_wait3A_13 = arith.constant 0 : i32
      %dma_wait3A_14 = tpu.memref_slice %arg4[%mul3A_2, %dma_wait3A_13] : memref<2048x768xf32, #tpu.memory_space<hbm>> -> memref<64x768xf32, #tpu.memory_space<hbm>>
      tpu.wait_dma2 semaphore(%run_scoped3A : memref<!tpu.dma_semaphore, #tpu.memory_space<semaphore_mem>>) src(%arg6 : memref<64x768xf32, #tpu.memory_space<vmem>>) dst(%dma_wait3A_14 : memref<64x768xf32, #tpu.memory_space<hbm>>)
      tpu.yield
    }) : () -> ()
    return
  }
}

#map = affine_map<(d0, d1) -> (0)>
#map1 = affine_map<(d0, d1) -> (0, 0)>
module attributes {stable_mosaic.version = 14 : i64} {
  func.func @_combine_body(%arg0: i32, %arg1: i32, %arg2: memref<2048xi32, #tpu.memory_space<hbm>>, %arg3: memref<2080x768xf32, #tpu.memory_space<hbm>>, %arg4: memref<2048x768xf32, #tpu.memory_space<hbm>>, %arg5: memref<64xi32, #tpu.memory_space<vmem>>, %arg6: memref<64x768xf32, #tpu.memory_space<vmem>>, %arg7: memref<!tpu.dma_semaphore, #tpu.memory_space<semaphore_mem>>) attributes {dimension_semantics = [#tpu.dimension_semantics<core_parallel>, #tpu.dimension_semantics<subcore_parallel>], iteration_bounds = array<i64: 2, 16>, scalar_prefetch = 0 : i64, scratch_operands = 3 : i64, tpu.core_type = #tpu.core_type<sc_vector_subcore>, window_params = [{transform_indices = #map}, {transform_indices = #map1}, {transform_indices = #map1}]} {
    %mul3A = arith.constant 2 : i32
    %mul3A_0 = arith.muli %arg1, %mul3A : i32
    %add3A = arith.addi %mul3A_0, %arg0 : i32
    %mul3A_1 = arith.constant 64 : i32
    %mul3A_2 = arith.muli %add3A, %mul3A_1 : i32
    "tpu.region"() ({
      %run_scoped3A = tpu.sem_alloc : memref<!tpu.dma_semaphore, #tpu.memory_space<semaphore_mem>>
      %dma_start3A_7 = tpu.memref_slice %arg2[%mul3A_2] : memref<2048xi32, #tpu.memory_space<hbm>> -> memref<64xi32, #tpu.memory_space<hbm>>
      %dma_start3A_8 = tpu.memref_slice %arg2[%mul3A_2] : memref<2048xi32, #tpu.memory_space<hbm>> -> memref<64xi32, #tpu.memory_space<hbm>>
      tpu.enqueue_dma source(%dma_start3A_8 : memref<64xi32, #tpu.memory_space<hbm>>) target(%arg5 : memref<64xi32, #tpu.memory_space<vmem>>) target_semaphore(%run_scoped3A : memref<!tpu.dma_semaphore, #tpu.memory_space<semaphore_mem>>)
      %dma_wait3A_9 = tpu.memref_slice %arg2[%mul3A_2] : memref<2048xi32, #tpu.memory_space<hbm>> -> memref<64xi32, #tpu.memory_space<hbm>>
      %dma_wait3A_10 = tpu.memref_slice %arg2[%mul3A_2] : memref<2048xi32, #tpu.memory_space<hbm>> -> memref<64xi32, #tpu.memory_space<hbm>>
      tpu.wait_dma2 semaphore(%run_scoped3A : memref<!tpu.dma_semaphore, #tpu.memory_space<semaphore_mem>>) src(%dma_wait3A_10 : memref<64xi32, #tpu.memory_space<hbm>>) dst(%arg5 : memref<64xi32, #tpu.memory_space<vmem>>)
      tpu.yield
    }) : () -> ()
    %dma_start3A = arith.constant 0 : i32
    %dma_start3A_3 = arith.constant 0 : i32
    %dma_start3A_4 = tpu.memref_slice %arg3[%dma_start3A, %dma_start3A_3] : memref<2080x768xf32, #tpu.memory_space<hbm>> -> memref<2080x768xf32, #tpu.memory_space<hbm>>
    tpu.enqueue_indirect_dma source(%dma_start3A_4 : memref<2080x768xf32, #tpu.memory_space<hbm>>) target(%arg6 : memref<64x768xf32, #tpu.memory_space<vmem>>) offsets(%arg5 : memref<64xi32, #tpu.memory_space<vmem>>) semaphore(%arg7 : memref<!tpu.dma_semaphore, #tpu.memory_space<semaphore_mem>>)
    %dma_wait3A = arith.constant 0 : i32
    %dma_wait3A_5 = arith.constant 0 : i32
    %dma_wait3A_6 = tpu.memref_slice %arg3[%dma_wait3A, %dma_wait3A_5] : memref<2080x768xf32, #tpu.memory_space<hbm>> -> memref<2080x768xf32, #tpu.memory_space<hbm>>
    tpu.wait_indirect_dma semaphore(%arg7 : memref<!tpu.dma_semaphore, #tpu.memory_space<semaphore_mem>>) src(%dma_wait3A_6 : memref<2080x768xf32, #tpu.memory_space<hbm>>) dst(%arg6 : memref<64x768xf32, #tpu.memory_space<vmem>>)
    "tpu.region"() ({
      %run_scoped3A = tpu.sem_alloc : memref<!tpu.dma_semaphore, #tpu.memory_space<semaphore_mem>>
      %dma_start3A_7 = arith.constant 0 : i32
      %dma_start3A_8 = tpu.memref_slice %arg4[%mul3A_2, %dma_start3A_7] : memref<2048x768xf32, #tpu.memory_space<hbm>> -> memref<64x768xf32, #tpu.memory_space<hbm>>
      %dma_start3A_9 = arith.constant 0 : i32
      %dma_start3A_10 = tpu.memref_slice %arg4[%mul3A_2, %dma_start3A_9] : memref<2048x768xf32, #tpu.memory_space<hbm>> -> memref<64x768xf32, #tpu.memory_space<hbm>>
      tpu.enqueue_dma source(%arg6 : memref<64x768xf32, #tpu.memory_space<vmem>>) target(%dma_start3A_10 : memref<64x768xf32, #tpu.memory_space<hbm>>) target_semaphore(%run_scoped3A : memref<!tpu.dma_semaphore, #tpu.memory_space<semaphore_mem>>)
      %dma_wait3A_11 = arith.constant 0 : i32
      %dma_wait3A_12 = tpu.memref_slice %arg4[%mul3A_2, %dma_wait3A_11] : memref<2048x768xf32, #tpu.memory_space<hbm>> -> memref<64x768xf32, #tpu.memory_space<hbm>>
      %dma_wait3A_13 = arith.constant 0 : i32
      %dma_wait3A_14 = tpu.memref_slice %arg4[%mul3A_2, %dma_wait3A_13] : memref<2048x768xf32, #tpu.memory_space<hbm>> -> memref<64x768xf32, #tpu.memory_space<hbm>>
      tpu.wait_dma2 semaphore(%run_scoped3A : memref<!tpu.dma_semaphore, #tpu.memory_space<semaphore_mem>>) src(%arg6 : memref<64x768xf32, #tpu.memory_space<vmem>>) dst(%dma_wait3A_14 : memref<64x768xf32, #tpu.memory_space<hbm>>)
      tpu.yield
    }) : () -> ()
    return
  }
}

module attributes {stable_mosaic.version = 14 : i64} {
  func.func @_route_invert_body(%arg0: i32, %arg1: memref<256x768xf32, #tpu.memory_space<vmem>>, %arg2: memref<768x64xf32, #tpu.memory_space<vmem>>, %arg3: memref<1x256xi32, #tpu.memory_space<vmem>>, %arg4: memref<1x256xf32, #tpu.memory_space<vmem>>, %arg5: memref<1x256xi32, #tpu.memory_space<vmem>>, %arg6: memref<256x1xf32, #tpu.memory_space<vmem>>, %arg7: memref<1x64xf32, #tpu.memory_space<vmem>>, %arg8: memref<1x2048xi32, #tpu.memory_space<vmem>>, %arg9: memref<1x2048xf32, #tpu.memory_space<vmem>>) attributes {dimension_semantics = [#tpu.dimension_semantics<arbitrary>], iteration_bounds = array<i64: 16>, scalar_prefetch = 0 : i64, scratch_operands = 3 : i64, tpu.core_type = #tpu.core_type<tc>, window_params = [{transform_indices = @transform_0, window_bounds = array<i64: 256, 768>}, {pipeline_mode = #tpu.pipeline_mode<synchronous>, transform_indices = @transform_1, window_bounds = array<i64: 768, 64>}, {transform_indices = @transform_2, window_bounds = array<i64: 1, 256>}, {transform_indices = @transform_3, window_bounds = array<i64: 1, 256>}, {transform_indices = @transform_4, window_bounds = array<i64: 1, 256>}, {transform_indices = @transform_5, window_bounds = array<i64: 256, 1>}]} {
    %eq3A = arith.constant 0 : i32
    %eq3A_0 = arith.cmpi eq, %arg0, %eq3A : i32
    %convert_element_type3A = arith.extui %eq3A_0 : i1 to i32
    %cond3A = arith.constant 0 : i32
    %cond3A_1 = arith.cmpi ne, %convert_element_type3A, %cond3A : i32
    scf.if %cond3A_1 {
      %broadcast_in_dim3A = arith.constant 0.000000e+00 : f32
      %broadcast_in_dim3A_10 = vector.broadcast %broadcast_in_dim3A : f32 to vector<1x64xf32>
      %swap3A = arith.constant 0 : index
      %swap3A_11 = arith.constant 0 : index
      %swap3A_12 = vector.load %arg7[%swap3A, %swap3A_11] : memref<1x64xf32, #tpu.memory_space<vmem>>, vector<1x64xf32>
      tpu.vector_store %arg7[%swap3A, %swap3A_11], %broadcast_in_dim3A_10 {strides = array<i32>} : memref<1x64xf32, #tpu.memory_space<vmem>>, vector<1x64xf32>,
    } else {
    }
    %lt3A = arith.constant 8 : i32
    %lt3A_2 = arith.cmpi slt, %arg0, %lt3A : i32
    %convert_element_type3A_3 = arith.extui %lt3A_2 : i1 to i32
    %cond3A_4 = arith.constant 0 : i32
    %cond3A_5 = arith.cmpi ne, %convert_element_type3A_3, %cond3A_4 : i32
    scf.if %cond3A_5 {
      %get3A = arith.constant 0 : index
      %get3A_10 = arith.constant 0 : index
      %get3A_11 = vector.load %arg1[%get3A, %get3A_10] : memref<256x768xf32, #tpu.memory_space<vmem>>, vector<256x768xf32>
      %get3A_12 = arith.constant 0 : index
      %get3A_13 = arith.constant 0 : index
      %get3A_14 = vector.load %arg2[%get3A_12, %get3A_13] : memref<768x64xf32, #tpu.memory_space<vmem>>, vector<768x64xf32>
      %dot_general3A = arith.constant dense<0.000000e+00> : vector<256x64xf32>
      %dot_general3A_15 = tpu.matmul %get3A_11, %get3A_14, %dot_general3A {dimension_numbers = #tpu.dot_dimension_numbers<[1], [0], [0], [1], [0, 0, 1, 1], [], []>, transpose_lhs_hint = false} : vector<256x768xf32>, vector<768x64xf32>, vector<256x64xf32> -> vector<256x64xf32>
      %reduce_max3A = arith.constant dense<0xFF800000> : vector<256xf32>
      %reduce_max3A_16 = vector.multi_reduction <maximumf>, %dot_general3A_15, %reduce_max3A [1] : vector<256x64xf32> to vector<256xf32>
      %broadcast_in_dim3A = vector.shape_cast %reduce_max3A_16 : vector<256xf32> to vector<256x1xf32>
      %sub3A = vector.broadcast %broadcast_in_dim3A : vector<256x1xf32> to vector<256x64xf32>
      %sub3A_17 = arith.subf %dot_general3A_15, %sub3A : vector<256x64xf32>
      %exp3A = math.exp %sub3A_17 : vector<256x64xf32>
      %reduce_sum3A = arith.constant dense<0.000000e+00> : vector<256xf32>
      %reduce_sum3A_18 = vector.multi_reduction <add>, %exp3A, %reduce_sum3A [1] : vector<256x64xf32> to vector<256xf32>
      %broadcast_in_dim3A_19 = vector.shape_cast %reduce_sum3A_18 : vector<256xf32> to vector<256x1xf32>
      %div3A = arith.constant 1.000000e+00 : f32
      %div3A_20 = vector.broadcast %div3A : f32 to vector<256x1xf32>
      %div3A_21 = arith.divf %div3A_20, %broadcast_in_dim3A_19 : vector<256x1xf32>
      %iota3A = tpu.iota {dimensions = array<i32: 1>} : vector<256x64xi32>
      %eq3A_22 = vector.broadcast %broadcast_in_dim3A : vector<256x1xf32> to vector<256x64xf32>
      %eq3A_23 = arith.cmpf oeq, %dot_general3A_15, %eq3A_22 : vector<256x64xf32>
      %jit3A = arith.constant 64 : i32
      %broadcast_in_dim3A_24 = vector.broadcast %jit3A : i32 to vector<256x64xi32>
      %select_n3A = arith.select %eq3A_23, %iota3A, %broadcast_in_dim3A_24 : vector<256x64xi1>, vector<256x64xi32>
      %reduce_min3A = arith.constant dense<2147483647> : vector<256xi32>
      %reduce_min3A_25 = vector.multi_reduction <minsi>, %select_n3A, %reduce_min3A [1] : vector<256x64xi32> to vector<256xi32>
      %broadcast_in_dim3A_26 = vector.shape_cast %reduce_min3A_25 : vector<256xi32> to vector<256x1xi32>
      %eq3A_27 = vector.broadcast %broadcast_in_dim3A_26 : vector<256x1xi32> to vector<256x64xi32>
      %eq3A_28 = arith.cmpi eq, %iota3A, %eq3A_27 : vector<256x64xi32>
      %convert_element_type3A_29 = arith.extui %eq3A_28 : vector<256x64xi1> to vector<256x64xi32>
      %convert_element_type3A_30 = arith.sitofp %convert_element_type3A_29 : vector<256x64xi32> to vector<256x64xf32>
      %iota3A_31 = tpu.iota {dimensions = array<i32: 0>} : vector<256x256xi32>
      %iota3A_32 = tpu.iota {dimensions = array<i32: 1>} : vector<256x256xi32>
      %le3A = arith.cmpi sle, %iota3A_32, %iota3A_31 : vector<256x256xi32>
      %convert_element_type3A_33 = arith.extui %le3A : vector<256x256xi1> to vector<256x256xi32>
      %convert_element_type3A_34 = arith.sitofp %convert_element_type3A_33 : vector<256x256xi32> to vector<256x256xf32>
      %dot_general3A_35 = arith.constant dense<0.000000e+00> : vector<256x64xf32>
      %dot_general3A_36 = tpu.matmul %convert_element_type3A_34, %convert_element_type3A_30, %dot_general3A_35 {dimension_numbers = #tpu.dot_dimension_numbers<[1], [0], [0], [1], [0, 0, 1, 1], [], []>, transpose_lhs_hint = false} : vector<256x256xf32>, vector<256x64xf32>, vector<256x64xf32> -> vector<256x64xf32>
      %get3A_37 = arith.constant 0 : index
      %get3A_38 = arith.constant 0 : index
      %get3A_39 = vector.load %arg7[%get3A_37, %get3A_38] : memref<1x64xf32, #tpu.memory_space<vmem>>, vector<1x64xf32>
      %add3A = vector.broadcast %get3A_39 : vector<1x64xf32> to vector<256x64xf32>
      %add3A_40 = arith.addf %dot_general3A_36, %add3A : vector<256x64xf32>
      %get3A_41 = arith.constant 0 : index
      %get3A_42 = arith.constant 0 : index
      %get3A_43 = vector.load %arg7[%get3A_41, %get3A_42] : memref<1x64xf32, #tpu.memory_space<vmem>>, vector<1x64xf32>
      %reduce_sum3A_44 = arith.constant dense<0.000000e+00> : vector<64xf32>
      %reduce_sum3A_45 = vector.multi_reduction <add>, %convert_element_type3A_30, %reduce_sum3A_44 [0] : vector<256x64xf32> to vector<64xf32>
      %broadcast_in_dim3A_46 = vector.shape_cast %reduce_sum3A_45 : vector<64xf32> to vector<1x64xf32>
      %add3A_47 = arith.addf %get3A_43, %broadcast_in_dim3A_46 : vector<1x64xf32>
      %swap3A = arith.constant 0 : index
      %swap3A_48 = arith.constant 0 : index
      %swap3A_49 = vector.load %arg7[%swap3A, %swap3A_48] : memref<1x64xf32, #tpu.memory_space<vmem>>, vector<1x64xf32>
      tpu.vector_store %arg7[%swap3A, %swap3A_48], %add3A_47 {strides = array<i32>} : memref<1x64xf32, #tpu.memory_space<vmem>>, vector<1x64xf32>,
      %mul3A = arith.mulf %add3A_40, %convert_element_type3A_30 : vector<256x64xf32>
      %reduce_sum3A_50 = arith.constant dense<0.000000e+00> : vector<256xf32>
      %reduce_sum3A_51 = vector.multi_reduction <add>, %mul3A, %reduce_sum3A_50 [1] : vector<256x64xf32> to vector<256xf32>
      %broadcast_in_dim3A_52 = vector.shape_cast %reduce_sum3A_51 : vector<256xf32> to vector<256x1xf32>
      %sub3A_53 = arith.constant 1.000000e+00 : f32
      %sub3A_54 = vector.broadcast %sub3A_53 : f32 to vector<256x1xf32>
      %sub3A_55 = arith.subf %broadcast_in_dim3A_52, %sub3A_54 : vector<256x1xf32>
      %lt3A_56 = arith.constant 3.200000e+01 : f32
      %lt3A_57 = vector.broadcast %lt3A_56 : f32 to vector<256x1xf32>
      %lt3A_58 = arith.cmpf olt, %sub3A_55, %lt3A_57 : vector<256x1xf32>
      %min3A = arith.constant 3.100000e+01 : f32
      %min3A_59 = vector.broadcast %min3A : f32 to vector<256x1xf32>
      %min3A_60 = arith.minimumf %sub3A_55, %min3A_59 : vector<256x1xf32>
      %convert_element_type3A_61 = arith.fptosi %min3A_60 : vector<256x1xf32> to vector<256x1xi32>
      %iota3A_62 = tpu.iota {dimensions = array<i32: 0>} : vector<256x1xi32>
      %mul3A_63 = arith.constant 32 : i32
      %mul3A_64 = vector.broadcast %mul3A_63 : i32 to vector<256x1xi32>
      %mul3A_65 = arith.muli %broadcast_in_dim3A_26, %mul3A_64 : vector<256x1xi32>
      %add3A_66 = arith.addi %mul3A_65, %convert_element_type3A_61 : vector<256x1xi32>
      %add3A_67 = arith.constant 32 : i32
      %add3A_68 = vector.broadcast %add3A_67 : i32 to vector<256x1xi32>
      %add3A_69 = arith.addi %add3A_66, %add3A_68 : vector<256x1xi32>
      %and3A = arith.constant 31 : i32
      %and3A_70 = vector.broadcast %and3A : i32 to vector<256x1xi32>
      %and3A_71 = arith.andi %iota3A_62, %and3A_70 : vector<256x1xi32>
      %select_n3A_72 = arith.select %lt3A_58, %add3A_69, %and3A_71 : vector<256x1xi1>, vector<256x1xi32>
      %reshape3A = vector.shape_cast %select_n3A_72 : vector<256x1xi32> to vector<1x256xi32>
      %reshape3A_73 = vector.shape_cast %div3A_21 : vector<256x1xf32> to vector<1x256xf32>
      %swap3A_74 = arith.constant 0 : index
      %swap3A_75 = arith.constant 0 : index
      %swap3A_76 = vector.load %arg3[%swap3A_74, %swap3A_75] : memref<1x256xi32, #tpu.memory_space<vmem>>, vector<1x256xi32>
      tpu.vector_store %arg3[%swap3A_74, %swap3A_75], %reshape3A {strides = array<i32>} : memref<1x256xi32, #tpu.memory_space<vmem>>, vector<1x256xi32>,
      %swap3A_77 = arith.constant 0 : index
      %swap3A_78 = arith.constant 0 : index
      %swap3A_79 = vector.load %arg4[%swap3A_77, %swap3A_78] : memref<1x256xf32, #tpu.memory_space<vmem>>, vector<1x256xf32>
      tpu.vector_store %arg4[%swap3A_77, %swap3A_78], %reshape3A_73 {strides = array<i32>} : memref<1x256xf32, #tpu.memory_space<vmem>>, vector<1x256xf32>,
      %mul3A_80 = arith.constant 256 : i32
      %mul3A_81 = arith.muli %arg0, %mul3A_80 : i32
      %squeeze3A = vector.shape_cast %reshape3A : vector<1x256xi32> to vector<256xi32>
      %swap3A_82 = arith.constant 0 : index
      %swap3A_83 = arith.index_cast %mul3A_81 : i32 to index
      %swap3A_84 = vector.load %arg8[%swap3A_82, %swap3A_83] : memref<1x2048xi32, #tpu.memory_space<vmem>>, vector<1x256xi32>
      %swap3A_85 = vector.shape_cast %swap3A_84 : vector<1x256xi32> to vector<256xi32>
      %swap3A_86 = vector.shape_cast %squeeze3A : vector<256xi32> to vector<1x256xi32>
      tpu.vector_store %arg8[%swap3A_82, %swap3A_83], %swap3A_86 {strides = array<i32>} : memref<1x2048xi32, #tpu.memory_space<vmem>>, vector<1x256xi32>,
      %squeeze3A_87 = vector.shape_cast %reshape3A_73 : vector<1x256xf32> to vector<256xf32>
      %swap3A_88 = arith.constant 0 : index
      %swap3A_89 = arith.index_cast %mul3A_81 : i32 to index
      %swap3A_90 = vector.load %arg9[%swap3A_88, %swap3A_89] : memref<1x2048xf32, #tpu.memory_space<vmem>>, vector<1x256xf32>
      %swap3A_91 = vector.shape_cast %swap3A_90 : vector<1x256xf32> to vector<256xf32>
      %swap3A_92 = vector.shape_cast %squeeze3A_87 : vector<256xf32> to vector<1x256xf32>
      tpu.vector_store %arg9[%swap3A_88, %swap3A_89], %swap3A_92 {strides = array<i32>} : memref<1x2048xf32, #tpu.memory_space<vmem>>, vector<1x256xf32>,
    } else {
    }
    %ge3A = arith.constant 8 : i32
    %ge3A_6 = arith.cmpi sge, %arg0, %ge3A : i32
    %convert_element_type3A_7 = arith.extui %ge3A_6 : i1 to i32
    %cond3A_8 = arith.constant 0 : i32
    %cond3A_9 = arith.cmpi ne, %convert_element_type3A_7, %cond3A_8 : i32
    scf.if %cond3A_9 {
      %sub3A = arith.constant 8 : i32
      %sub3A_10 = arith.subi %arg0, %sub3A : i32
      %get3A = arith.constant 0 : index
      %get3A_11 = arith.constant 0 : index
      %get3A_12 = vector.load %arg8[%get3A, %get3A_11] : memref<1x2048xi32, #tpu.memory_space<vmem>>, vector<1x2048xi32>
      %sub3A_13 = arith.constant 32 : i32
      %sub3A_14 = vector.broadcast %sub3A_13 : i32 to vector<1x2048xi32>
      %sub3A_15 = arith.subi %get3A_12, %sub3A_14 : vector<1x2048xi32>
      %mul3A = arith.constant 256 : i32
      %mul3A_16 = arith.muli %sub3A_10, %mul3A : i32
      %iota3A = tpu.iota {dimensions = array<i32: 0>} : vector<256x2048xi32>
      %add3A = vector.broadcast %mul3A_16 : i32 to vector<256x2048xi32>
      %add3A_17 = arith.addi %add3A, %iota3A : vector<256x2048xi32>
      %eq3A_18 = vector.broadcast %sub3A_15 : vector<1x2048xi32> to vector<256x2048xi32>
      %eq3A_19 = arith.cmpi eq, %add3A_17, %eq3A_18 : vector<256x2048xi32>
      %convert_element_type3A_20 = arith.extui %eq3A_19 : vector<256x2048xi1> to vector<256x2048xi32>
      %convert_element_type3A_21 = arith.sitofp %convert_element_type3A_20 : vector<256x2048xi32> to vector<256x2048xf32>
      %iota3A_22 = tpu.iota {dimensions = array<i32: 1>} : vector<256x2048xi32>
      %convert_element_type3A_23 = arith.sitofp %iota3A_22 : vector<256x2048xi32> to vector<256x2048xf32>
      %mul3A_24 = arith.mulf %convert_element_type3A_21, %convert_element_type3A_23 : vector<256x2048xf32>
      %reduce_sum3A = arith.constant dense<0.000000e+00> : vector<256xf32>
      %reduce_sum3A_25 = vector.multi_reduction <add>, %mul3A_24, %reduce_sum3A [1] : vector<256x2048xf32> to vector<256xf32>
      %broadcast_in_dim3A = vector.shape_cast %reduce_sum3A_25 : vector<256xf32> to vector<256x1xf32>
      %convert_element_type3A_26 = arith.fptosi %broadcast_in_dim3A : vector<256x1xf32> to vector<256x1xi32>
      %reduce_sum3A_27 = arith.constant dense<0.000000e+00> : vector<256xf32>
      %reduce_sum3A_28 = vector.multi_reduction <add>, %convert_element_type3A_21, %reduce_sum3A_27 [1] : vector<256x2048xf32> to vector<256xf32>
      %broadcast_in_dim3A_29 = vector.shape_cast %reduce_sum3A_28 : vector<256xf32> to vector<256x1xf32>
      %mul3A_30 = arith.constant 256 : i32
      %mul3A_31 = arith.muli %sub3A_10, %mul3A_30 : i32
      %iota3A_32 = tpu.iota {dimensions = array<i32: 0>} : vector<256x1xi32>
      %add3A_33 = vector.broadcast %mul3A_31 : i32 to vector<256x1xi32>
      %add3A_34 = arith.addi %add3A_33, %iota3A_32 : vector<256x1xi32>
      %gt3A = arith.constant 0.000000e+00 : f32
      %gt3A_35 = vector.broadcast %gt3A : f32 to vector<256x1xf32>
      %gt3A_36 = arith.cmpf ogt, %broadcast_in_dim3A_29, %gt3A_35 : vector<256x1xf32>
      %select_n3A = arith.select %gt3A_36, %convert_element_type3A_26, %add3A_34 : vector<256x1xi1>, vector<256x1xi32>
      %reshape3A = vector.shape_cast %select_n3A : vector<256x1xi32> to vector<1x256xi32>
      %swap3A = arith.constant 0 : index
      %swap3A_37 = arith.constant 0 : index
      %swap3A_38 = vector.load %arg5[%swap3A, %swap3A_37] : memref<1x256xi32, #tpu.memory_space<vmem>>, vector<1x256xi32>
      tpu.vector_store %arg5[%swap3A, %swap3A_37], %reshape3A {strides = array<i32>} : memref<1x256xi32, #tpu.memory_space<vmem>>, vector<1x256xi32>,
      %get3A_39 = arith.constant 0 : index
      %get3A_40 = arith.constant 0 : index
      %get3A_41 = vector.load %arg9[%get3A_39, %get3A_40] : memref<1x2048xf32, #tpu.memory_space<vmem>>, vector<1x2048xf32>
      %mul3A_42 = vector.broadcast %get3A_41 : vector<1x2048xf32> to vector<256x2048xf32>
      %mul3A_43 = arith.mulf %convert_element_type3A_21, %mul3A_42 : vector<256x2048xf32>
      %reduce_sum3A_44 = arith.constant dense<0.000000e+00> : vector<256xf32>
      %reduce_sum3A_45 = vector.multi_reduction <add>, %mul3A_43, %reduce_sum3A_44 [1] : vector<256x2048xf32> to vector<256xf32>
      %broadcast_in_dim3A_46 = vector.shape_cast %reduce_sum3A_45 : vector<256xf32> to vector<256x1xf32>
      %swap3A_47 = arith.constant 0 : index
      %swap3A_48 = arith.constant 0 : index
      %swap3A_49 = vector.load %arg6[%swap3A_47, %swap3A_48] : memref<256x1xf32, #tpu.memory_space<vmem>>, vector<256x1xf32>
      tpu.vector_store %arg6[%swap3A_47, %swap3A_48], %broadcast_in_dim3A_46 {strides = array<i32>} : memref<256x1xf32, #tpu.memory_space<vmem>>, vector<256x1xf32>,
    } else {
    }
    return
  }
  func.func @transform_0(%arg0: i32) -> (i32, i32) {
    %min3A = arith.constant 7 : i32
    %min3A_0 = arith.minsi %arg0, %min3A : i32
    %c0_i32 = arith.constant 0 : i32
    %c0_i32_1 = arith.constant 0 : i32
    return %min3A_0, %c0_i32 : i32, i32
  }
  func.func @transform_1(%arg0: i32) -> (i32, i32) {
    %c0_i32 = arith.constant 0 : i32
    %c0_i32_0 = arith.constant 0 : i32
    %c0_i32_1 = arith.constant 0 : i32
    return %c0_i32, %c0_i32_0 : i32, i32
  }
  func.func @transform_2(%arg0: i32) -> (i32, i32) {
    %min3A = arith.constant 7 : i32
    %min3A_0 = arith.minsi %arg0, %min3A : i32
    %c0_i32 = arith.constant 0 : i32
    %c0_i32_1 = arith.constant 0 : i32
    return %c0_i32, %min3A_0 : i32, i32
  }
  func.func @transform_3(%arg0: i32) -> (i32, i32) {
    %min3A = arith.constant 7 : i32
    %min3A_0 = arith.minsi %arg0, %min3A : i32
    %c0_i32 = arith.constant 0 : i32
    %c0_i32_1 = arith.constant 0 : i32
    return %c0_i32, %min3A_0 : i32, i32
  }
  func.func @transform_4(%arg0: i32) -> (i32, i32) {
    %sub3A = arith.constant 8 : i32
    %sub3A_0 = arith.subi %arg0, %sub3A : i32
    %max3A = arith.constant 0 : i32
    %max3A_1 = arith.maxsi %sub3A_0, %max3A : i32
    %c0_i32 = arith.constant 0 : i32
    %c0_i32_2 = arith.constant 0 : i32
    return %c0_i32, %max3A_1 : i32, i32
  }
  func.func @transform_5(%arg0: i32) -> (i32, i32) {
    %sub3A = arith.constant 8 : i32
    %sub3A_0 = arith.subi %arg0, %sub3A : i32
    %max3A = arith.constant 0 : i32
    %max3A_1 = arith.maxsi %sub3A_0, %max3A : i32
    %c0_i32 = arith.constant 0 : i32
    %c0_i32_2 = arith.constant 0 : i32
    return %max3A_1, %c0_i32 : i32, i32
  }
}

module attributes {stable_mosaic.version = 14 : i64} {
  func.func @_ffn_body(%arg0: i32, %arg1: memref<1x32x768xf32, #tpu.memory_space<vmem>>, %arg2: memref<1x768x1024xf32, #tpu.memory_space<vmem>>, %arg3: memref<1x1x1024xf32, #tpu.memory_space<vmem>>, %arg4: memref<1x1024x768xf32, #tpu.memory_space<vmem>>, %arg5: memref<1x1x768xf32, #tpu.memory_space<vmem>>, %arg6: memref<1x32x1xf32, #tpu.memory_space<vmem>>, %arg7: memref<1x32x768xf32, #tpu.memory_space<vmem>>) attributes {dimension_semantics = [#tpu.dimension_semantics<arbitrary>], iteration_bounds = array<i64: 65>, scalar_prefetch = 0 : i64, scratch_operands = 0 : i64, tpu.core_type = #tpu.core_type<tc>, window_params = [{transform_indices = @transform_0, window_bounds = array<i64: 1, 32, 768>}, {transform_indices = @transform_1, window_bounds = array<i64: 1, 768, 1024>}, {transform_indices = @transform_2, window_bounds = array<i64: 1, 1, 1024>}, {transform_indices = @transform_3, window_bounds = array<i64: 1, 1024, 768>}, {transform_indices = @transform_4, window_bounds = array<i64: 1, 1, 768>}, {transform_indices = @transform_5, window_bounds = array<i64: 1, 32, 1>}, {transform_indices = @transform_6, window_bounds = array<i64: 1, 32, 768>}]} {
    %eq3A = arith.constant 0 : i32
    %eq3A_0 = arith.cmpi eq, %arg0, %eq3A : i32
    %convert_element_type3A = arith.extui %eq3A_0 : i1 to i32
    %cond3A = arith.constant 0 : i32
    %cond3A_1 = arith.cmpi ne, %convert_element_type3A, %cond3A : i32
    scf.if %cond3A_1 {
      %broadcast_in_dim3A = arith.constant 0.000000e+00 : f32
      %broadcast_in_dim3A_6 = vector.broadcast %broadcast_in_dim3A : f32 to vector<1x32x768xf32>
      %swap3A = arith.constant 0 : index
      %swap3A_7 = arith.constant 0 : index
      %swap3A_8 = arith.constant 0 : index
      %swap3A_9 = vector.load %arg7[%swap3A, %swap3A_7, %swap3A_8] : memref<1x32x768xf32, #tpu.memory_space<vmem>>, vector<1x32x768xf32>
      tpu.vector_store %arg7[%swap3A, %swap3A_7, %swap3A_8], %broadcast_in_dim3A_6 {strides = array<i32>} : memref<1x32x768xf32, #tpu.memory_space<vmem>>, vector<1x32x768xf32>,
    } else {
    }
    %gt3A = arith.constant 0 : i32
    %gt3A_2 = arith.cmpi sgt, %arg0, %gt3A : i32
    %convert_element_type3A_3 = arith.extui %gt3A_2 : i1 to i32
    %cond3A_4 = arith.constant 0 : i32
    %cond3A_5 = arith.cmpi ne, %convert_element_type3A_3, %cond3A_4 : i32
    scf.if %cond3A_5 {
      %get3A = arith.constant 0 : index
      %get3A_6 = arith.constant 0 : index
      %get3A_7 = arith.constant 0 : index
      %get3A_8 = vector.load %arg1[%get3A, %get3A_6, %get3A_7] : memref<1x32x768xf32, #tpu.memory_space<vmem>>, vector<1x32x768xf32>
      %get3A_9 = vector.shape_cast %get3A_8 : vector<1x32x768xf32> to vector<32x768xf32>
      %get3A_10 = arith.constant 0 : index
      %get3A_11 = arith.constant 0 : index
      %get3A_12 = arith.constant 0 : index
      %get3A_13 = vector.load %arg2[%get3A_10, %get3A_11, %get3A_12] : memref<1x768x1024xf32, #tpu.memory_space<vmem>>, vector<1x768x1024xf32>
      %get3A_14 = vector.shape_cast %get3A_13 : vector<1x768x1024xf32> to vector<768x1024xf32>
      %dot_general3A = arith.constant dense<0.000000e+00> : vector<32x1024xf32>
      %dot_general3A_15 = tpu.matmul %get3A_9, %get3A_14, %dot_general3A {dimension_numbers = #tpu.dot_dimension_numbers<[1], [0], [0], [1], [0, 0, 1, 1], [], []>, transpose_lhs_hint = false} : vector<32x768xf32>, vector<768x1024xf32>, vector<32x1024xf32> -> vector<32x1024xf32>
      %get3A_16 = arith.constant 0 : index
      %get3A_17 = arith.constant 0 : index
      %get3A_18 = arith.constant 0 : index
      %get3A_19 = vector.load %arg3[%get3A_16, %get3A_17, %get3A_18] : memref<1x1x1024xf32, #tpu.memory_space<vmem>>, vector<1x1x1024xf32>
      %get3A_20 = vector.shape_cast %get3A_19 : vector<1x1x1024xf32> to vector<1x1024xf32>
      %add3A = vector.broadcast %get3A_20 : vector<1x1024xf32> to vector<32x1024xf32>
      %add3A_21 = arith.addf %dot_general3A_15, %add3A : vector<32x1024xf32>
      %max3A = arith.constant 0.000000e+00 : f32
      %max3A_22 = vector.broadcast %max3A : f32 to vector<32x1024xf32>
      %max3A_23 = arith.maximumf %add3A_21, %max3A_22 : vector<32x1024xf32>
      %get3A_24 = arith.constant 0 : index
      %get3A_25 = arith.constant 0 : index
      %get3A_26 = arith.constant 0 : index
      %get3A_27 = vector.load %arg4[%get3A_24, %get3A_25, %get3A_26] : memref<1x1024x768xf32, #tpu.memory_space<vmem>>, vector<1x1024x768xf32>
      %get3A_28 = vector.shape_cast %get3A_27 : vector<1x1024x768xf32> to vector<1024x768xf32>
      %dot_general3A_29 = arith.constant dense<0.000000e+00> : vector<32x768xf32>
      %dot_general3A_30 = tpu.matmul %max3A_23, %get3A_28, %dot_general3A_29 {dimension_numbers = #tpu.dot_dimension_numbers<[1], [0], [0], [1], [0, 0, 1, 1], [], []>, transpose_lhs_hint = false} : vector<32x1024xf32>, vector<1024x768xf32>, vector<32x768xf32> -> vector<32x768xf32>
      %get3A_31 = arith.constant 0 : index
      %get3A_32 = arith.constant 0 : index
      %get3A_33 = arith.constant 0 : index
      %get3A_34 = vector.load %arg5[%get3A_31, %get3A_32, %get3A_33] : memref<1x1x768xf32, #tpu.memory_space<vmem>>, vector<1x1x768xf32>
      %get3A_35 = vector.shape_cast %get3A_34 : vector<1x1x768xf32> to vector<1x768xf32>
      %add3A_36 = vector.broadcast %get3A_35 : vector<1x768xf32> to vector<32x768xf32>
      %add3A_37 = arith.addf %dot_general3A_30, %add3A_36 : vector<32x768xf32>
      %get3A_38 = arith.constant 0 : index
      %get3A_39 = arith.constant 0 : index
      %get3A_40 = arith.constant 0 : index
      %get3A_41 = vector.load %arg6[%get3A_38, %get3A_39, %get3A_40] : memref<1x32x1xf32, #tpu.memory_space<vmem>>, vector<1x32x1xf32>
      %get3A_42 = vector.shape_cast %get3A_41 : vector<1x32x1xf32> to vector<32x1xf32>
      %mul3A = vector.broadcast %get3A_42 : vector<32x1xf32> to vector<32x768xf32>
      %mul3A_43 = arith.mulf %add3A_37, %mul3A : vector<32x768xf32>
      %swap3A = arith.constant 0 : index
      %swap3A_44 = arith.constant 0 : index
      %swap3A_45 = arith.constant 0 : index
      %swap3A_46 = vector.load %arg7[%swap3A, %swap3A_44, %swap3A_45] : memref<1x32x768xf32, #tpu.memory_space<vmem>>, vector<1x32x768xf32>
      %swap3A_47 = vector.shape_cast %swap3A_46 : vector<1x32x768xf32> to vector<32x768xf32>
      %swap3A_48 = vector.shape_cast %mul3A_43 : vector<32x768xf32> to vector<1x32x768xf32>
      tpu.vector_store %arg7[%swap3A, %swap3A_44, %swap3A_45], %swap3A_48 {strides = array<i32>} : memref<1x32x768xf32, #tpu.memory_space<vmem>>, vector<1x32x768xf32>,
    } else {
    }
    return
  }
  func.func @transform_0(%arg0: i32) -> (i32, i32, i32) {
    %sub3A = arith.constant 1 : i32
    %sub3A_0 = arith.subi %arg0, %sub3A : i32
    %max3A = arith.constant 0 : i32
    %max3A_1 = arith.maxsi %sub3A_0, %max3A : i32
    %c0_i32 = arith.constant 0 : i32
    %c0_i32_2 = arith.constant 0 : i32
    %c0_i32_3 = arith.constant 0 : i32
    return %max3A_1, %c0_i32, %c0_i32_2 : i32, i32, i32
  }
  func.func @transform_1(%arg0: i32) -> (i32, i32, i32) {
    %sub3A = arith.constant 1 : i32
    %sub3A_0 = arith.subi %arg0, %sub3A : i32
    %max3A = arith.constant 0 : i32
    %max3A_1 = arith.maxsi %sub3A_0, %max3A : i32
    %c0_i32 = arith.constant 0 : i32
    %c0_i32_2 = arith.constant 0 : i32
    %c0_i32_3 = arith.constant 0 : i32
    return %max3A_1, %c0_i32, %c0_i32_2 : i32, i32, i32
  }
  func.func @transform_2(%arg0: i32) -> (i32, i32, i32) {
    %sub3A = arith.constant 1 : i32
    %sub3A_0 = arith.subi %arg0, %sub3A : i32
    %max3A = arith.constant 0 : i32
    %max3A_1 = arith.maxsi %sub3A_0, %max3A : i32
    %c0_i32 = arith.constant 0 : i32
    %c0_i32_2 = arith.constant 0 : i32
    %c0_i32_3 = arith.constant 0 : i32
    return %max3A_1, %c0_i32, %c0_i32_2 : i32, i32, i32
  }
  func.func @transform_3(%arg0: i32) -> (i32, i32, i32) {
    %sub3A = arith.constant 1 : i32
    %sub3A_0 = arith.subi %arg0, %sub3A : i32
    %max3A = arith.constant 0 : i32
    %max3A_1 = arith.maxsi %sub3A_0, %max3A : i32
    %c0_i32 = arith.constant 0 : i32
    %c0_i32_2 = arith.constant 0 : i32
    %c0_i32_3 = arith.constant 0 : i32
    return %max3A_1, %c0_i32, %c0_i32_2 : i32, i32, i32
  }
  func.func @transform_4(%arg0: i32) -> (i32, i32, i32) {
    %sub3A = arith.constant 1 : i32
    %sub3A_0 = arith.subi %arg0, %sub3A : i32
    %max3A = arith.constant 0 : i32
    %max3A_1 = arith.maxsi %sub3A_0, %max3A : i32
    %c0_i32 = arith.constant 0 : i32
    %c0_i32_2 = arith.constant 0 : i32
    %c0_i32_3 = arith.constant 0 : i32
    return %max3A_1, %c0_i32, %c0_i32_2 : i32, i32, i32
  }
  func.func @transform_5(%arg0: i32) -> (i32, i32, i32) {
    %sub3A = arith.constant 1 : i32
    %sub3A_0 = arith.subi %arg0, %sub3A : i32
    %max3A = arith.constant 0 : i32
    %max3A_1 = arith.maxsi %sub3A_0, %max3A : i32
    %c0_i32 = arith.constant 0 : i32
    %c0_i32_2 = arith.constant 0 : i32
    %c0_i32_3 = arith.constant 0 : i32
    return %max3A_1, %c0_i32, %c0_i32_2 : i32, i32, i32
  }
  func.func @transform_6(%arg0: i32) -> (i32, i32, i32) {
    %c0_i32 = arith.constant 0 : i32
    %c0_i32_0 = arith.constant 0 : i32
    %c0_i32_1 = arith.constant 0 : i32
    return %arg0, %c0_i32, %c0_i32_0 : i32, i32, i32
  }
}

</mosaic_0001>

<sc_bundles>
// kernel: kernel.6.cloned.1.call-start
scs
__scs_entry_jumppad:
0x0: {  	(pc) =	sbr.rel $0x88, $3  }
0x1: {  	(tag) =	ssettag $0x0;
	lr =	simm.s32 $0x1  }
0x2: {  	[smem:$0x3F9B] =	sst lr;
	_ =	strace $0xD0000000  }
0x3: {  	_ = 	snop  }
0x4: {  	_ = 	snop  }
0x5: {  	_ = 	snop  }
0x6: {  	_ = 	snop  }
0x7: {  	_ = 	snop  }
__scs_overlays_trampoline_lowered:
0x8: {  	[smem:$0x3FAA] =	sst s0  }
0x9: {  	[smem:$0x3FAB] =	sst s1  }
0xa: {  	[smem:$0x3FAC] =	sst s2  }
0xb: {  	[smem:$0x3FAD] =	sst s3  }
0xc: {  	[smem:$0x3FAE] =	sst s4  }
0xd: {  	[smem:$0x3FAF] =	sst s5  }
0xe: {  	[smem:$0x3FB0] =	sst s6  }
0xf: {  	[smem:$0x3FB1] =	sst s7  }
0x10: {  	[smem:$0x3FB2] =	sst s8  }
0x11: {  	[smem:$0x3FB3] =	sst s9;
	s0 =	simm.s32 @!p0 $0x0  }
0x12: {  	s1 =	sld [smem:$0x3F99];
	s0 =	simm.s32 @p0 $0x1  }
0x13: {  	[smem:$0x3FB4] =	sst s0;
	s0 =	simm.s32 @!p1 $0x0  }
0x14: {  	s2 =	sld [smem:$0x3F98];
	s0 =	simm.s32 @p1 $0x1  }
0x15: {  	[smem:$0x3FB5] =	sst s0;
	s0 =	simm.s32 @!p2 $0x0  }
0x16: {  	s3 =	sld [smem:$0x3FDB];
	s0 =	simm.s32 @p2 $0x1  }
0x17: {  	s4 =	simm.s32 $0x1BF5;
	[smem:$0x3FB7] =	sst s0  }
0x18: {  	s0 =	sld [smem:$0x3F9A];
	_ =	swait.ge [sflag:s4], $0x0  }
0x19: {  	s7 =	sld [smem:$0x3F9B]  }
0x1a: {  	s8 =	sadd.s32 $0xFFFFE003, lr  }
0x1b: {  	s9 =	sadd.s32 $0xFFFFFEF7, lr;
	s5 =	simm.s32 $0xFFFFFFFF;
	p2 =	slt.u32 s8, $0xFFFFF086  }
0x1c: {  	p1 =	slt.u32 s9, $0xF7A;
	s5 =	simm.s32 @!p2 $0x0  }
0x1d: {  	s5 =	simm.s32 @p1 $0x1;
	p0 =	seq.s32 s7, s2  }
0x1e: {  	s7 =	smul.u32 @!p0 $0xF7A, s2;
	p2 =	seq.s32 @!p0 s5, $0x0  }
0x1f: {  	s9 =	smul.u32 $0xF7A, s1;
	s8 =	simm.s32 @!p0 $0x1BF5;
	p2 =	por !p2, p0  }
0x20: {  	[sflag:s8] =	ssyncset.s32 @!p0 $0xFFFFF086;
	s6 =	sadd.s32 @!p0 s3, s7;
	s7 =	simm.s32 @!p0 $0x108  }
0x21: {  	s3 =	sadd.s32 s3, s9;
	s6 =	sadd.s32 @!p0 $0x88, s6;
	s7 =	simm.s32 @p2 $0x1082  }
0x22: {  	[simem:s7], [sflag:s8] =	dma.local @!p0 [hbm:s6], $0xF7A  }
0x23: {  	s9 =	sor.u32 $0xD0000000, s2;
	s6 =	simm.s32 $0x108;
	_ =	swait.ge @!p0 [sflag:s8], $0x0  }
0x24: {  	s3 =	sadd.s32 $0x88, s3;
	s6 =	simm.s32 @!p1 $0x1082;
	[sflag:s4] =	ssyncset.s32 $0xFFFFF086  }
0x25: {  	[simem:s6], [sflag:s4] =	dma.local [hbm:s3], $0xF7A  }
0x26: {  	[smem:$0x3F9B] =	sst s1;
	(tag) =	ssettag s2;
	_ =	strace s9  }
0x27: {  	s1 =	sld [smem:$0x3FAB]  }
0x28: {  	s2 =	sld [smem:$0x3FAC]  }
0x29: {  	s4 =	sld [smem:$0x3FAE]  }
0x2a: {  	p0 =	seq.s32 s5, $0x0;
	s5 =	sld [smem:$0x3FAF]  }
0x2b: {  	s6 =	sld [smem:$0x3FB0]  }
0x2c: {  	s7 =	sld [smem:$0x3FB1]  }
0x2d: {  	s3 =	simm.s32 $0x108;
	s8 =	sld [smem:$0x3FB2]  }
0x2e: {  	s3 =	simm.s32 @!p0 $0x1082;
	s9 =	sld [smem:$0x3FB3]  }
0x2f: {  	lr =	sadd.s32 s0, s3;
	s0 =	sld [smem:$0x3FAA]  }
0x30: {  	s3 =	sld [smem:$0x3FAD]  }
0x31: {  	[smem:$0x3FB6] =	sst s10  }
0x32: {  	s10 =	sld [smem:$0x3FB4];
	_ =	sdelay $0x3  }
0x33: {  	p0 =	seq.s32 s10, $0x1;
	s10 =	sld [smem:$0x3FB6];
	_ =	sdelay $0x3  }
0x34: {  	[smem:$0x3FB6] =	sst s10  }
0x35: {  	s10 =	sld [smem:$0x3FB5];
	_ =	sdelay $0x3  }
0x36: {  	p1 =	seq.s32 s10, $0x1;
	s10 =	sld [smem:$0x3FB6];
	_ =	sdelay $0x3  }
0x37: {  	[smem:$0x3FB6] =	sst s10  }
0x38: {  	s10 =	sld [smem:$0x3FB7]  }
0x39: {  	_ = 	snop;
	(pc) =	sbr.ind lr, $3  }
0x3a: {  	_ = 	snop  }
0x3b: {  	_ = 	snop  }
0x3c: {  	p2 =	seq.s32 s10, $0x1;
	s10 =	sld [smem:$0x3FB6]  }
0x3d: {  	_ =	shalt  }
0x3e: {  	_ =	shalt  }
0x3f: {  	_ =	shalt  }
0x40: {  	_ =	shalt  }
0x41: {  	_ =	shalt  }
0x42: {  	_ =	shalt  }
0x43: {  	_ =	shalt  }
0x44: {  	_ =	shalt  }
0x45: {  	_ =	shalt  }
0x46: {  	_ =	shalt  }
0x47: {  	_ =	shalt  }
0x48: {  	_ =	shalt  }
0x49: {  	_ =	shalt  }
0x4a: {  	_ =	shalt  }
0x4b: {  	_ =	shalt  }
0x4c: {  	_ =	shalt  }
0x4d: {  	_ =	shalt  }
0x4e: {  	_ =	shalt  }
0x4f: {  	_ =	shalt  }
0x50: {  	_ =	shalt  }
0x51: {  	_ =	shalt  }
0x52: {  	_ =	shalt  }
0x53: {  	_ =	shalt  }
0x54: {  	_ =	shalt  }
0x55: {  	_ =	shalt  }
0x56: {  	_ =	shalt  }
0x57: {  	_ =	shalt  }
0x58: {  	_ =	shalt  }
0x59: {  	_ =	shalt  }
0x5a: {  	_ =	shalt  }
0x5b: {  	_ =	shalt  }
0x5c: {  	_ =	shalt  }
0x5d: {  	_ =	shalt  }
0x5e: {  	_ =	shalt  }
0x5f: {  	_ =	shalt  }
0x60: {  	_ =	shalt  }
0x61: {  	_ =	shalt  }
0x62: {  	_ =	shalt  }
0x63: {  	_ =	shalt  }
0x64: {  	_ =	shalt  }
0x65: {  	_ =	shalt  }
0x66: {  	_ =	shalt  }
0x67: {  	_ =	shalt  }
0x68: {  	_ =	shalt  }
0x69: {  	_ =	shalt  }
0x6a: {  	_ =	shalt  }
0x6b: {  	_ =	shalt  }
0x6c: {  	_ =	shalt  }
0x6d: {  	_ =	shalt  }
0x6e: {  	_ =	shalt  }
0x6f: {  	_ =	shalt  }
0x70: {  	_ =	shalt  }
0x71: {  	_ =	shalt  }
0x72: {  	_ =	shalt  }
0x73: {  	_ =	shalt  }
0x74: {  	_ =	shalt  }
0x75: {  	_ =	shalt  }
0x76: {  	_ =	shalt  }
0x77: {  	_ =	shalt  }
0x78: {  	_ =	shalt  }
0x79: {  	_ =	shalt  }
0x7a: {  	_ =	shalt  }
0x7b: {  	_ =	shalt  }
0x7c: {  	_ =	shalt  }
0x7d: {  	_ =	shalt  }
0x7e: {  	_ =	shalt  }
0x7f: {  	_ =	shalt  }
0x80: {  	_ =	shalt  }
0x81: {  	_ =	shalt  }
0x82: {  	_ =	shalt  }
0x83: {  	_ =	shalt  }
0x84: {  	_ =	shalt  }
0x85: {  	_ =	shalt  }
0x86: {  	_ =	shalt  }
0x87: {  	_ =	shalt  }
.Lfunc_end0:
.L_simem_size_0:
called_computation_lowered:
.L_overlay_start_0:
0x88: {  	s2 =	sld [smem:$0x3FD9]  }
0x89: {  	s3 =	sld [smem:$0x3FFE];
	_ =	sdelay $0x1  }
0x8a: {  	s1 =	srdreg.scid  }
0x8b: {  	s0 =	sand.u32 $0x1, s1  }
0x8c: {  	s17 =	sshll.u32 s0, $0xA;
	s2 =	sadd.s32 s3, s2  }
0x8d: {  	s2 =	sadd.s32 s2, s17  }
0x8e: {  	[smem:$0x3FC2] =	sst s2  }
0x8f: {  	_ = 	snop  }
0x90: {  	s2 =	sld [smem:$0x3FC9]  }
0x91: {  	s18 =	sld [smem:$0x3FD0];
	(tm) =	ssettm $0x1  }
0x92: {  	s4 =	sld [smem:$0x3FFB];
	_ =	sdelay $0x3  }
0x93: {  	_ =	strace s4  }
0x94: {  	s4 =	sld [smem:$0x3FFC];
	_ =	sdelay $0x3  }
0x95: {  	_ =	strace s4  }
0x96: {  	s4 =	sld [smem:$0x3FFD];
	_ =	sdelay $0x3  }
0x97: {  	_ =	strace s4  }
0x98: {  	_ =	strace $0x8FFFFFFF  }
0x99: {  	s19 =	sld [smem:$0x3FDB];
	_ =	sdelay $0x1  }
0x9a: {  	s5 =	simm.s32 $_scs_section_size  }
0x9b: {  	s6 =	simm.s32 $_size__tile_overlayer_lowered;
	s7 =	simm.s32 $_tile_overlayer_lowered  }
0x9c: {  	s22 =	simm.s32 $0x1BFF;
	s21 =	sshll.u32 s7, $0x1;
	s4 =	sadd.s32 s5, s19  }
0x9d: {  	s8 =	simm.s32 $0x0;
	s20 =	sshll.u32 s6, $0x1;
	s6 =	sadd.s32 s21, s4  }
0x9e: {  	[timem:s8], [sflag:s22] =	dma.local [hbm:s6], s20  }
0x9f: {  	_ =	swait.ge [sflag:s22], s20  }
0xa0: {  	s5 =	ssub.s32 $0x0, s20;
	[sflag:s22] =	ssyncset.done $0x0  }
0xa1: {  	[sflag:s22] =	ssyncadd.s32 s5;
	_ =	sdelay $0x1  }
0xa2: {  	s23 =	simm.s32 $0x1B8B  }
0xa3: {  	_ =	swait.ge [sflag:s23], $0x1  }
0xa4: {  	[sflag:s23] =	ssyncset.done $0x0  }
0xa5: {  	s25 =	simm.s32 $0x1B8E;
	s24 =	sld [smem:$0x3FFE];
	[sflag:s23] =	ssyncadd.s32 $0xFFFFFFFF  }
0xa6: {  	s26 =	simm.s32 $execute0_lowered;
	[smem:$0x3FD2] =	sst s25  }
0xa7: {  	s6 =	sshll.u32 s26, $0x1;
	_ =	strace $0x80000046;
	[dreg:$0x1] =	wrdreg $0xFFFFFFFF  }
0xa8: {  	s28 =	simm.s32 $_size_execute0_lowered;
	s4 =	sadd.s32 s4, s6;
	[dreg:$0x0] =	wrdreg $0x0  }
0xa9: {  	s6 =	sshll.u32 s28, $0x1;
	[dreg:$0x2] =	wrdreg s4  }
0xaa: {  	[dreg:$0x3] =	wrdreg s6  }
0xab: {  	[dreg:$0x4] =	wrdreg $0xC0  }
0xac: {  	_ =	task [dreg:s8], $0x5FFFF  }
0xad: {  	[dreg:$0x1] =	wrdreg $0xFFFFFFFF  }
0xae: {  	[dreg:$0x0] =	wrdreg $0x60  }
0xaf: {  	[dreg:$0x2] =	wrdreg s24  }
0xb0: {  	[dreg:$0x3] =	wrdreg s2  }
0xb1: {  	[dreg:$0x4] =	wrdreg s18  }
0xb2: {  	[dreg:$0x5] =	wrdreg $0x9  }
0xb3: {  	_ =	task.clear_ibuf [dreg:s8], $0x6FFFF;
	_ =	strace $0x90000046  }
0xb4: {  	s29 =	simm.s32 $0x9;
	_ =	strace $0x80000048  }
0xb5: {  	_ =	swait.ge [sflag:s29], $0x1  }
0xb6: {  	[sflag:s29] =	ssyncadd.s32 $0xFFFFFFFF  }
0xb7: {  	_ =	strace $0x90000048  }
0xb8: {  	_ =	sfence  }
0xb9: {  	s30 =	sld [smem:$0x0];
	_ =	sdelay $0x2  }
0xba: {  	s31 =	sshll.u32 s1, $0xD;
	s1 =	sshrl.u32 s1, $0x2  }
0xbb: {  	s3 =	sand.u32 $0x4000, s31;
	s1 =	sadd.s32 s1, s30  }
0xbc: {  	s0 =	sor.u32 s3, s0;
	s1 =	sshll.u32 s1, $0x11  }
0xbd: {  	s0 =	sor.u32 s1, s0  }
0xbe: {  	s0 =	sadd.s32 $0x8F2B, s0  }
0xbf: {  	[sflag:s0] =	ssyncadd.remote.s32 $0x1  }
0xc0: {  	_ =	sfence.sel $0xFFFF  }
0xc1: {  	[dreg:$0x0] =	wrdreg $0xFFFFFFFF;
	(pc) =	sbr.abs _section_cstart, $3  }
0xc2: {  	[dreg:$0x1] =	wrdreg $0xFFFFFFFF  }
0xc3: {  	_ =	task.clear_ibuf [dreg:s8], $0x2FFFF;
	_ =	strace $0x9FFFFFFF  }
0xc4: {  	(tm) =	ssettm $0x7FFFFFFF  }
0xc5: {  	_ =	shalt  }
tec
execute0_lowered:
.L_overlay_start_1:
0x0: {  	(tag) =	ssettag $0x1  }
0x1: {  	s0 =	rddreg [dreg:$0x0]  }
0x2: {  	s2 =	rddreg [dreg:$0x1]  }
0x3: {  	s5 =	rddreg [dreg:$0x2]  }
0x4: {  	s3 =	srdreg.scid;
	s1 =	stileid.u32;
	s8 =	simm.s32 $0x80  }
0x5: {  	s26 =	simm.s32 $0x880;
	s9 =	simm.s32 $0x1080;
	s10 =	simm.s32 $0x1880  }
0x6: {  	s11 =	simm.s32 $0x2080;
	s12 =	simm.s32 $0x2880;
	s13 =	simm.s32 $0x3080  }
0x7: {  	s14 =	simm.s32 $0x3880;
	s15 =	simm.s32 $0x4080;
	s16 =	simm.s32 $0x4880  }
0x8: {  	s17 =	simm.s32 $0x5080;
	s18 =	simm.s32 $0x5880;
	s19 =	simm.s32 $0x6080  }
0x9: {  	s20 =	simm.s32 $0x6880;
	s21 =	simm.s32 $0x7080;
	s22 =	simm.s32 $0x7880  }
0xa: {  	s23 =	simm.s32 $0x8080;
	s28 =	simm.s32 $0xA080;
	s29 =	simm.s32 $0xA880  }
0xb: {  	s30 =	simm.s32 $0xB080;
	s31 =	simm.s32 $0xB880;
	s4 =	sand.u32 $0x1, s3  }
0xc: {  	s3 =	simm.s32 $0x0;
	s6 =	sshll.u32 s1, $0x4;
	s7 =	sshll.u32 s4, $0x3  }
0xd: {  	[smem:$0x7FF] =	sst s3;
	s4 =	ssub.s32 $0x2, s4;
	s6 =	sor.u32 s7, s6  }
0xe: {  	s24 =	sshrl.u32 s4, $0x1;
	_ =	strace $0x80000047;
	[dreg:$0x6] =	wrdreg s26  }
0xf: {  	s26 =	simm.s32 $0x9880;
	s0 =	sadd.s32 s6, s0;
	s6 =	smul.u32 $0x300, s6  }
0x10: {  	s7 =	ssub.s32 s4, s24;
	s4 =	sadd.s32 $0x100, s2;
	s0 =	sadd.s32 $0x1800, s0  }
0x11: {  	v2 =	vlaneseq.u32;
	s24 =	simm.s32 $0x8880;
	[dreg:$0x4] =	wrdreg s0;
	s25 =	sadd.s32 s5, s6  }
0x12: {  	vm0 =	vmmov $0xffff;
	v1 =	vshrl.u32 v2, $0x3;
	s5 =	sadd.s32 $0x200, s2;
	s6 =	smax.u32 s7, $0x1;
	s7 =	simm.s32 $0x2  }
0x13: {  	v0 =	vand.u32 $0x7, v2;
	v2 =	vor.u32 $0x8, v2;
	v1 =	vmul.u32 $0x8, v1;
	s0 =	simm.s32 $0x1;
	[dreg:$0x5] =	wrdreg s25;
	s25 =	simm.s32 $0x9080  }
.LBB2_1:
0x14: {  	s1 =	rddreg [dreg:$0x4]  }
0x15: {  	[tilespmem:s3], [sflag:$0x2] =	stream.linear.gather [hbm4b:s1+s3], $0x40, $0x38;
	[tilespmem:$0xC080] =	vst v63  }
0x16: {  	_ =	swait.ge [sflag:s7], $0x40  }
0x17: {  	[sflag:s7] =	ssyncset.done $0x0  }
0x18: {  	[sflag:s7] =	ssyncadd.s32 $0xFFFFFFC0  }
0x19: {  	v3 =	vld [tilespmem:$0x0];
	_ =	sdelay $0x4  }
0x1a: {  	v4 =	vshrl.u32 v3, $0x3  }
0x1b: {  	v4 =	vmul.u32 $0x30, v4  }
0x1c: {  	v3 =	vand.u32 $0x7, v3  }
0x1d: {  	v3 =	vor.u32 v3, v4  }
0x1e: {  	v4 =	vperm.xlane v3, v0;
	_ =	sdelay $0x1  }
0x1f: {  	v4 =	vadd.s32 v1, v4;
	_ =	sdelay $0x3  }
0x20: {  	v3 =	vperm.xlane v3, v2  }
0x21: {  	[tilespmem:s8], [sflag:$0x1] =	stream.indirect_vreg.gather [hbm4b:s2+s3], $0x80, v4, vm0, $0xb8;
	[tilespmem:$0xC080] =	vst v63  }
0x22: {  	s1 =	rddreg [dreg:$0x6];
	v3 =	vadd.s32 v1, v3  }
0x23: {  	[tilespmem:s1], [sflag:$0x1] =	stream.indirect_vreg.gather [hbm4b:s4+s3], $0x80, v4, vm0, $0xb8;
	[tilespmem:$0xC080] =	vst v63  }
0x24: {  	_ = 	snop  }
0x25: {  	[tilespmem:s9], [sflag:$0x1] =	stream.indirect_vreg.gather [hbm4b:s5+s3], $0x80, v4, vm0, $0xb8;
	[tilespmem:$0xC080] =	vst v63  }
0x26: {  	_ = 	snop  }
0x27: {  	[tilespmem:s10], [sflag:$0x1] =	stream.indirect_vreg.gather [hbm4b:s2+s3], $0x80, v3, vm0, $0xb8;
	[tilespmem:$0xC080] =	vst v63  }
0x28: {  	_ = 	snop  }
0x29: {  	[tilespmem:s11], [sflag:$0x1] =	stream.indirect_vreg.gather [hbm4b:s4+s3], $0x80, v3, vm0, $0xb8;
	[tilespmem:$0xC080] =	vst v63  }
0x2a: {  	_ = 	snop  }
0x2b: {  	[tilespmem:s12], [sflag:$0x1] =	stream.indirect_vreg.gather [hbm4b:s5+s3], $0x80, v3, vm0, $0xb8;
	[tilespmem:$0xC080] =	vst v63  }
0x2c: {  	v3 =	vld [tilespmem:$0x10];
	_ =	sdelay $0x4  }
0x2d: {  	v61 =	vshrl.u32 v3, $0x3  }
0x2e: {  	v4 =	vmul.u32 $0x30, v61  }
0x2f: {  	v3 =	vand.u32 $0x7, v3  }
0x30: {  	v3 =	vor.u32 v3, v4  }
0x31: {  	v4 =	vperm.xlane v3, v0;
	_ =	sdelay $0x1  }
0x32: {  	v4 =	vadd.s32 v1, v4;
	_ =	sdelay $0x3  }
0x33: {  	v3 =	vperm.xlane v3, v2  }
0x34: {  	[tilespmem:s13], [sflag:$0x1] =	stream.indirect_vreg.gather [hbm4b:s2+s3], $0x80, v4, vm0, $0xb8;
	[tilespmem:$0xC080] =	vst v63  }
0x35: {  	v3 =	vadd.s32 v1, v3  }
0x36: {  	[tilespmem:s14], [sflag:$0x1] =	stream.indirect_vreg.gather [hbm4b:s4+s3], $0x80, v4, vm0, $0xb8;
	[tilespmem:$0xC080] =	vst v63  }
0x37: {  	_ = 	snop  }
0x38: {  	[tilespmem:s15], [sflag:$0x1] =	stream.indirect_vreg.gather [hbm4b:s5+s3], $0x80, v4, vm0, $0xb8;
	[tilespmem:$0xC080] =	vst v63  }
0x39: {  	_ = 	snop  }
0x3a: {  	[tilespmem:s16], [sflag:$0x1] =	stream.indirect_vreg.gather [hbm4b:s2+s3], $0x80, v3, vm0, $0xb8;
	[tilespmem:$0xC080] =	vst v63  }
0x3b: {  	_ = 	snop  }
0x3c: {  	[tilespmem:s17], [sflag:$0x1] =	stream.indirect_vreg.gather [hbm4b:s4+s3], $0x80, v3, vm0, $0xb8;
	[tilespmem:$0xC080] =	vst v63  }
0x3d: {  	_ = 	snop  }
0x3e: {  	[tilespmem:s18], [sflag:$0x1] =	stream.indirect_vreg.gather [hbm4b:s5+s3], $0x80, v3, vm0, $0xb8;
	[tilespmem:$0xC080] =	vst v63  }
0x3f: {  	v3 =	vld [tilespmem:$0x20];
	_ =	sdelay $0x4  }
0x40: {  	v62 =	vshrl.u32 v3, $0x3  }
0x41: {  	v4 =	vmul.u32 $0x30, v62  }
0x42: {  	v3 =	vand.u32 $0x7, v3  }
0x43: {  	v3 =	vor.u32 v3, v4  }
0x44: {  	v4 =	vperm.xlane v3, v0;
	_ =	sdelay $0x1  }
0x45: {  	v4 =	vadd.s32 v1, v4;
	_ =	sdelay $0x3  }
0x46: {  	v3 =	vperm.xlane v3, v2  }
0x47: {  	[tilespmem:s19], [sflag:$0x1] =	stream.indirect_vreg.gather [hbm4b:s2+s3], $0x80, v4, vm0, $0xb8;
	[tilespmem:$0xC080] =	vst v63  }
0x48: {  	v3 =	vadd.s32 v1, v3  }
0x49: {  	[tilespmem:s20], [sflag:$0x1] =	stream.indirect_vreg.gather [hbm4b:s4+s3], $0x80, v4, vm0, $0xb8;
	[tilespmem:$0xC080] =	vst v63  }
0x4a: {  	_ = 	snop  }
0x4b: {  	[tilespmem:s21], [sflag:$0x1] =	stream.indirect_vreg.gather [hbm4b:s5+s3], $0x80, v4, vm0, $0xb8;
	[tilespmem:$0xC080] =	vst v63  }
0x4c: {  	_ = 	snop  }
0x4d: {  	[tilespmem:s22], [sflag:$0x1] =	stream.indirect_vreg.gather [hbm4b:s2+s3], $0x80, v3, vm0, $0xb8;
	[tilespmem:$0xC080] =	vst v63  }
0x4e: {  	_ = 	snop  }
0x4f: {  	[tilespmem:s23], [sflag:$0x1] =	stream.indirect_vreg.gather [hbm4b:s4+s3], $0x80, v3, vm0, $0xb8;
	[tilespmem:$0xC080] =	vst v63  }
0x50: {  	_ = 	snop  }
0x51: {  	[tilespmem:s24], [sflag:$0x1] =	stream.indirect_vreg.gather [hbm4b:s5+s3], $0x80, v3, vm0, $0xb8;
	[tilespmem:$0xC080] =	vst v63  }
0x52: {  	v3 =	vld [tilespmem:$0x30];
	_ =	sdelay $0x4  }
0x53: {  	v63 =	vshrl.u32 v3, $0x3  }
0x54: {  	v4 =	vmul.u32 $0x30, v63  }
0x55: {  	v3 =	vand.u32 $0x7, v3  }
0x56: {  	v3 =	vor.u32 v3, v4  }
0x57: {  	v4 =	vperm.xlane v3, v0;
	_ =	sdelay $0x1  }
0x58: {  	v4 =	vadd.s32 v1, v4;
	_ =	sdelay $0x3  }
0x59: {  	v3 =	vperm.xlane v3, v2  }
0x5a: {  	[tilespmem:s25], [sflag:$0x1] =	stream.indirect_vreg.gather [hbm4b:s2+s3], $0x80, v4, vm0, $0xb8;
	[tilespmem:$0xC080] =	vst v63  }
0x5b: {  	v3 =	vadd.s32 v1, v3  }
0x5c: {  	[tilespmem:s26], [sflag:$0x1] =	stream.indirect_vreg.gather [hbm4b:s4+s3], $0x80, v4, vm0, $0xb8;
	[tilespmem:$0xC080] =	vst v63  }
0x5d: {  	_ = 	snop  }
0x5e: {  	[tilespmem:s28], [sflag:$0x1] =	stream.indirect_vreg.gather [hbm4b:s5+s3], $0x80, v4, vm0, $0xb8;
	[tilespmem:$0xC080] =	vst v63  }
0x5f: {  	_ = 	snop  }
0x60: {  	[tilespmem:s29], [sflag:$0x1] =	stream.indirect_vreg.gather [hbm4b:s2+s3], $0x80, v3, vm0, $0xb8;
	[tilespmem:$0xC080] =	vst v63  }
0x61: {  	_ = 	snop  }
0x62: {  	[tilespmem:s30], [sflag:$0x1] =	stream.indirect_vreg.gather [hbm4b:s4+s3], $0x80, v3, vm0, $0xb8;
	[tilespmem:$0xC080] =	vst v63  }
0x63: {  	_ = 	snop  }
0x64: {  	[tilespmem:s31], [sflag:$0x1] =	stream.indirect_vreg.gather [hbm4b:s5+s3], $0x80, v3, vm0, $0xb8;
	[tilespmem:$0xC080] =	vst v63  }
0x65: {  	_ =	swait.ge [sflag:s0], $0xC000  }
0x66: {  	p0 =	sne.s32 s6, $0x1;
	[sflag:s0] =	ssyncset.done $0x0  }
.Ltmp0:
0x67: {  	s1 =	rddreg [dreg:$0x5];
	[sflag:s0] =	ssyncadd.s32 $0xFFFF4000;
	(pc) =	sbr.rel @p0 .LBB2_1-.Ltmp0, $4  }
0x68: {  	[hbm4b:s1+s3] =	stream.linear.scatter [tilespmem:s8], [sflag:$0x2], $0xC000, $0x38;
	[tilespmem:$0xC080] =	vst v63  }
0x69: {  	_ =	swait.ge [sflag:s7], $0xC000  }
0x6a: {  	[sflag:s7] =	ssyncset.done $0x0  }
0x6b: {  	s6 =	sadd.s32 $0xFFFFFFFF, s6;
	[sflag:s7] =	ssyncadd.s32 $0xFFFF4000  }
0x6c: {  	_ =	sfence.sel $0x180000  }
0x6d: {  	[bflag:$0x0] =	sbarrier.arrive $0xFFFF  }
0x6e: {  	_ =	strace $0x90000047  }
0x6f: {  	s0 =	stileid.u32;
	[bflag:$0x2] =	sbarrier.arrive $0xFFFF  }
0x70: {  	p0 =	sne.s32 s0, $0x0;
	s0 =	rddreg [dreg:$0x3]  }
0x71: {  	s0 =	sadd.s32 @!p0 $0x100000, s0  }
0x72: {  	[sflag:s0] =	ssyncadd.tile.s32 @!p0 $0x1;
	_ =	shalt  }
.Lfunc_end2:
_tile_overlayer_lowered:
.L_overlay_start_2:
0x73: {  	(tag) =	ssettag $0x2  }
0x74: {  	s0 =	rddreg [dreg:$0x0];
	s2 =	stileid.u32  }
0x75: {  	s1 =	rddreg [dreg:$0x1];
	p0 =	sne.s32 s2, $0x0  }
0x76: {  	s3 =	rddreg [dreg:$0x2];
	[bflag:$0x3] =	sbarrier.arrive $0xFFFF;
	s2 =	simm.s32 @!p0 $0x1C02  }
0x77: {  	[timem:s3], [sflag:s2] =	dma.local @!p0 [hbm:s0], s1  }
0x78: {  	s0 =	simm.s32 @!p0 $0x2  }
0x79: {  	_ =	swait.ge @!p0 [sflag:s0], s1  }
0x7a: {  	s1 =	ssub.s32 @!p0 $0x0, s1;
	[sflag:s0] =	ssyncset.done @!p0 $0x0  }
0x7b: {  	[sflag:s0] =	ssyncadd.s32 @!p0 s1  }
0x7c: {  	[bflag:$0x3] =	sbarrier.arrive $0xFFFF  }
0x7d: {  	_ =	shalt  }

// kernel: kernel.9.cloned.1.call-start
scs
__scs_entry_jumppad:
0x0: {  	(pc) =	sbr.rel $0x88, $3  }
0x1: {  	(tag) =	ssettag $0x0;
	lr =	simm.s32 $0x1  }
0x2: {  	[smem:$0x3F9B] =	sst lr;
	_ =	strace $0xD0000000  }
0x3: {  	_ = 	snop  }
0x4: {  	_ = 	snop  }
0x5: {  	_ = 	snop  }
0x6: {  	_ = 	snop  }
0x7: {  	_ = 	snop  }
__scs_overlays_trampoline_lowered:
0x8: {  	[smem:$0x3FAA] =	sst s0  }
0x9: {  	[smem:$0x3FAB] =	sst s1  }
0xa: {  	[smem:$0x3FAC] =	sst s2  }
0xb: {  	[smem:$0x3FAD] =	sst s3  }
0xc: {  	[smem:$0x3FAE] =	sst s4  }
0xd: {  	[smem:$0x3FAF] =	sst s5  }
0xe: {  	[smem:$0x3FB0] =	sst s6  }
0xf: {  	[smem:$0x3FB1] =	sst s7  }
0x10: {  	[smem:$0x3FB2] =	sst s8  }
0x11: {  	[smem:$0x3FB3] =	sst s9;
	s0 =	simm.s32 @!p0 $0x0  }
0x12: {  	s1 =	sld [smem:$0x3F99];
	s0 =	simm.s32 @p0 $0x1  }
0x13: {  	[smem:$0x3FB4] =	sst s0;
	s0 =	simm.s32 @!p1 $0x0  }
0x14: {  	s2 =	sld [smem:$0x3F98];
	s0 =	simm.s32 @p1 $0x1  }
0x15: {  	[smem:$0x3FB5] =	sst s0;
	s0 =	simm.s32 @!p2 $0x0  }
0x16: {  	s3 =	sld [smem:$0x3FDB];
	s0 =	simm.s32 @p2 $0x1  }
0x17: {  	s4 =	simm.s32 $0x1BF5;
	[smem:$0x3FB7] =	sst s0  }
0x18: {  	s0 =	sld [smem:$0x3F9A];
	_ =	swait.ge [sflag:s4], $0x0  }
0x19: {  	s7 =	sld [smem:$0x3F9B]  }
0x1a: {  	s8 =	sadd.s32 $0xFFFFE003, lr  }
0x1b: {  	s9 =	sadd.s32 $0xFFFFFEF7, lr;
	s5 =	simm.s32 $0xFFFFFFFF;
	p2 =	slt.u32 s8, $0xFFFFF086  }
0x1c: {  	p1 =	slt.u32 s9, $0xF7A;
	s5 =	simm.s32 @!p2 $0x0  }
0x1d: {  	s5 =	simm.s32 @p1 $0x1;
	p0 =	seq.s32 s7, s2  }
0x1e: {  	s7 =	smul.u32 @!p0 $0xF7A, s2;
	p2 =	seq.s32 @!p0 s5, $0x0  }
0x1f: {  	s9 =	smul.u32 $0xF7A, s1;
	s8 =	simm.s32 @!p0 $0x1BF5;
	p2 =	por !p2, p0  }
0x20: {  	[sflag:s8] =	ssyncset.s32 @!p0 $0xFFFFF086;
	s6 =	sadd.s32 @!p0 s3, s7;
	s7 =	simm.s32 @!p0 $0x108  }
0x21: {  	s3 =	sadd.s32 s3, s9;
	s6 =	sadd.s32 @!p0 $0x88, s6;
	s7 =	simm.s32 @p2 $0x1082  }
0x22: {  	[simem:s7], [sflag:s8] =	dma.local @!p0 [hbm:s6], $0xF7A  }
0x23: {  	s9 =	sor.u32 $0xD0000000, s2;
	s6 =	simm.s32 $0x108;
	_ =	swait.ge @!p0 [sflag:s8], $0x0  }
0x24: {  	s3 =	sadd.s32 $0x88, s3;
	s6 =	simm.s32 @!p1 $0x1082;
	[sflag:s4] =	ssyncset.s32 $0xFFFFF086  }
0x25: {  	[simem:s6], [sflag:s4] =	dma.local [hbm:s3], $0xF7A  }
0x26: {  	[smem:$0x3F9B] =	sst s1;
	(tag) =	ssettag s2;
	_ =	strace s9  }
0x27: {  	s1 =	sld [smem:$0x3FAB]  }
0x28: {  	s2 =	sld [smem:$0x3FAC]  }
0x29: {  	s4 =	sld [smem:$0x3FAE]  }
0x2a: {  	p0 =	seq.s32 s5, $0x0;
	s5 =	sld [smem:$0x3FAF]  }
0x2b: {  	s6 =	sld [smem:$0x3FB0]  }
0x2c: {  	s7 =	sld [smem:$0x3FB1]  }
0x2d: {  	s3 =	simm.s32 $0x108;
	s8 =	sld [smem:$0x3FB2]  }
0x2e: {  	s3 =	simm.s32 @!p0 $0x1082;
	s9 =	sld [smem:$0x3FB3]  }
0x2f: {  	lr =	sadd.s32 s0, s3;
	s0 =	sld [smem:$0x3FAA]  }
0x30: {  	s3 =	sld [smem:$0x3FAD]  }
0x31: {  	[smem:$0x3FB6] =	sst s10  }
0x32: {  	s10 =	sld [smem:$0x3FB4];
	_ =	sdelay $0x3  }
0x33: {  	p0 =	seq.s32 s10, $0x1;
	s10 =	sld [smem:$0x3FB6];
	_ =	sdelay $0x3  }
0x34: {  	[smem:$0x3FB6] =	sst s10  }
0x35: {  	s10 =	sld [smem:$0x3FB5];
	_ =	sdelay $0x3  }
0x36: {  	p1 =	seq.s32 s10, $0x1;
	s10 =	sld [smem:$0x3FB6];
	_ =	sdelay $0x3  }
0x37: {  	[smem:$0x3FB6] =	sst s10  }
0x38: {  	s10 =	sld [smem:$0x3FB7]  }
0x39: {  	_ = 	snop;
	(pc) =	sbr.ind lr, $3  }
0x3a: {  	_ = 	snop  }
0x3b: {  	_ = 	snop  }
0x3c: {  	p2 =	seq.s32 s10, $0x1;
	s10 =	sld [smem:$0x3FB6]  }
0x3d: {  	_ =	shalt  }
0x3e: {  	_ =	shalt  }
0x3f: {  	_ =	shalt  }
0x40: {  	_ =	shalt  }
0x41: {  	_ =	shalt  }
0x42: {  	_ =	shalt  }
0x43: {  	_ =	shalt  }
0x44: {  	_ =	shalt  }
0x45: {  	_ =	shalt  }
0x46: {  	_ =	shalt  }
0x47: {  	_ =	shalt  }
0x48: {  	_ =	shalt  }
0x49: {  	_ =	shalt  }
0x4a: {  	_ =	shalt  }
0x4b: {  	_ =	shalt  }
0x4c: {  	_ =	shalt  }
0x4d: {  	_ =	shalt  }
0x4e: {  	_ =	shalt  }
0x4f: {  	_ =	shalt  }
0x50: {  	_ =	shalt  }
0x51: {  	_ =	shalt  }
0x52: {  	_ =	shalt  }
0x53: {  	_ =	shalt  }
0x54: {  	_ =	shalt  }
0x55: {  	_ =	shalt  }
0x56: {  	_ =	shalt  }
0x57: {  	_ =	shalt  }
0x58: {  	_ =	shalt  }
0x59: {  	_ =	shalt  }
0x5a: {  	_ =	shalt  }
0x5b: {  	_ =	shalt  }
0x5c: {  	_ =	shalt  }
0x5d: {  	_ =	shalt  }
0x5e: {  	_ =	shalt  }
0x5f: {  	_ =	shalt  }
0x60: {  	_ =	shalt  }
0x61: {  	_ =	shalt  }
0x62: {  	_ =	shalt  }
0x63: {  	_ =	shalt  }
0x64: {  	_ =	shalt  }
0x65: {  	_ =	shalt  }
0x66: {  	_ =	shalt  }
0x67: {  	_ =	shalt  }
0x68: {  	_ =	shalt  }
0x69: {  	_ =	shalt  }
0x6a: {  	_ =	shalt  }
0x6b: {  	_ =	shalt  }
0x6c: {  	_ =	shalt  }
0x6d: {  	_ =	shalt  }
0x6e: {  	_ =	shalt  }
0x6f: {  	_ =	shalt  }
0x70: {  	_ =	shalt  }
0x71: {  	_ =	shalt  }
0x72: {  	_ =	shalt  }
0x73: {  	_ =	shalt  }
0x74: {  	_ =	shalt  }
0x75: {  	_ =	shalt  }
0x76: {  	_ =	shalt  }
0x77: {  	_ =	shalt  }
0x78: {  	_ =	shalt  }
0x79: {  	_ =	shalt  }
0x7a: {  	_ =	shalt  }
0x7b: {  	_ =	shalt  }
0x7c: {  	_ =	shalt  }
0x7d: {  	_ =	shalt  }
0x7e: {  	_ =	shalt  }
0x7f: {  	_ =	shalt  }
0x80: {  	_ =	shalt  }
0x81: {  	_ =	shalt  }
0x82: {  	_ =	shalt  }
0x83: {  	_ =	shalt  }
0x84: {  	_ =	shalt  }
0x85: {  	_ =	shalt  }
0x86: {  	_ =	shalt  }
0x87: {  	_ =	shalt  }
.Lfunc_end0:
.L_simem_size_0:
called_computation.1_lowered:
.L_overlay_start_0:
0x88: {  	s2 =	sld [smem:$0x3FD9]  }
0x89: {  	s3 =	sld [smem:$0x3FFE];
	_ =	sdelay $0x1  }
0x8a: {  	s1 =	srdreg.scid  }
0x8b: {  	s0 =	sand.u32 $0x1, s1  }
0x8c: {  	s17 =	sshll.u32 s0, $0xA;
	s2 =	sadd.s32 s3, s2  }
0x8d: {  	s2 =	sadd.s32 s2, s17  }
0x8e: {  	[smem:$0x3FC2] =	sst s2  }
0x8f: {  	_ = 	snop  }
0x90: {  	s2 =	sld [smem:$0x3FD0];
	(tm) =	ssettm $0x1  }
0x91: {  	s18 =	sld [smem:$0x3FFB];
	_ =	sdelay $0x3  }
0x92: {  	_ =	strace s18  }
0x93: {  	s3 =	sld [smem:$0x3FFC];
	_ =	sdelay $0x3  }
0x94: {  	_ =	strace s3  }
0x95: {  	s3 =	sld [smem:$0x3FFD];
	_ =	sdelay $0x3  }
0x96: {  	_ =	strace s3  }
0x97: {  	_ =	strace $0x8FFFFFFF  }
0x98: {  	s19 =	sld [smem:$0x3FDB];
	_ =	sdelay $0x1  }
0x99: {  	s4 =	simm.s32 $_scs_section_size  }
0x9a: {  	s5 =	simm.s32 $_size__tile_overlayer_lowered;
	s6 =	simm.s32 $_tile_overlayer_lowered  }
0x9b: {  	s22 =	simm.s32 $0x1BFF;
	s21 =	sshll.u32 s6, $0x1;
	s3 =	sadd.s32 s4, s19  }
0x9c: {  	s7 =	simm.s32 $0x0;
	s20 =	sshll.u32 s5, $0x1;
	s5 =	sadd.s32 s21, s3  }
0x9d: {  	[timem:s7], [sflag:s22] =	dma.local [hbm:s5], s20  }
0x9e: {  	_ =	swait.ge [sflag:s22], s20  }
0x9f: {  	s4 =	ssub.s32 $0x0, s20;
	[sflag:s22] =	ssyncset.done $0x0  }
0xa0: {  	[sflag:s22] =	ssyncadd.s32 s4;
	_ =	sdelay $0x1  }
0xa1: {  	s23 =	simm.s32 $0x1B8B  }
0xa2: {  	_ =	swait.ge [sflag:s23], $0x1  }
0xa3: {  	[sflag:s23] =	ssyncset.done $0x0  }
0xa4: {  	s25 =	simm.s32 $0x1B8E;
	s24 =	sld [smem:$0x3FFE];
	[sflag:s23] =	ssyncadd.s32 $0xFFFFFFFF  }
0xa5: {  	s26 =	simm.s32 $execute0_lowered;
	[smem:$0x3FD2] =	sst s25  }
0xa6: {  	s5 =	sshll.u32 s26, $0x1;
	_ =	strace $0x80000049;
	[dreg:$0x1] =	wrdreg $0xFFFFFFFF  }
0xa7: {  	s28 =	simm.s32 $_size_execute0_lowered;
	s3 =	sadd.s32 s3, s5;
	[dreg:$0x0] =	wrdreg $0x0  }
0xa8: {  	s5 =	sshll.u32 s28, $0x1;
	[dreg:$0x2] =	wrdreg s3  }
0xa9: {  	[dreg:$0x3] =	wrdreg s5  }
0xaa: {  	[dreg:$0x4] =	wrdreg $0xC0  }
0xab: {  	_ =	task [dreg:s7], $0x5FFFF  }
0xac: {  	[dreg:$0x1] =	wrdreg $0xFFFFFFFF  }
0xad: {  	[dreg:$0x0] =	wrdreg $0x60  }
0xae: {  	[dreg:$0x2] =	wrdreg s24  }
0xaf: {  	[dreg:$0x3] =	wrdreg s2  }
0xb0: {  	[dreg:$0x4] =	wrdreg $0x9  }
0xb1: {  	_ =	task.clear_ibuf [dreg:s7], $0x5FFFF;
	_ =	strace $0x90000049  }
0xb2: {  	s29 =	simm.s32 $0x9;
	_ =	strace $0x8000004B  }
0xb3: {  	_ =	swait.ge [sflag:s29], $0x1  }
0xb4: {  	[sflag:s29] =	ssyncadd.s32 $0xFFFFFFFF  }
0xb5: {  	_ =	strace $0x9000004B  }
0xb6: {  	_ =	sfence  }
0xb7: {  	s30 =	sld [smem:$0x0];
	_ =	sdelay $0x2  }
0xb8: {  	s31 =	sshll.u32 s1, $0xD;
	s1 =	sshrl.u32 s1, $0x2  }
0xb9: {  	s3 =	sand.u32 $0x4000, s31;
	s1 =	sadd.s32 s1, s30  }
0xba: {  	s0 =	sor.u32 s3, s0;
	s1 =	sshll.u32 s1, $0x11  }
0xbb: {  	s0 =	sor.u32 s1, s0  }
0xbc: {  	s0 =	sadd.s32 $0x8F2B, s0  }
0xbd: {  	[sflag:s0] =	ssyncadd.remote.s32 $0x1  }
0xbe: {  	_ =	sfence.sel $0xFFFF  }
0xbf: {  	[dreg:$0x0] =	wrdreg $0xFFFFFFFF;
	(pc) =	sbr.abs _section_cstart, $3  }
0xc0: {  	[dreg:$0x1] =	wrdreg $0xFFFFFFFF  }
0xc1: {  	_ =	task.clear_ibuf [dreg:s7], $0x2FFFF;
	_ =	strace $0x9FFFFFFF  }
0xc2: {  	(tm) =	ssettm $0x7FFFFFFF  }
0xc3: {  	_ =	shalt  }
tec
execute0_lowered:
.L_overlay_start_1:
0x0: {  	(tag) =	ssettag $0x1  }
0x1: {  	s0 =	rddreg [dreg:$0x0]  }
0x2: {  	s5 =	rddreg [dreg:$0x1];
	s3 =	srdreg.scid  }
0x3: {  	s2 =	simm.s32 $0x0;
	s1 =	stileid.u32;
	s26 =	simm.s32 $0x880  }
0x4: {  	s10 =	simm.s32 $0x1880;
	s11 =	simm.s32 $0x2080;
	s12 =	simm.s32 $0x2880  }
0x5: {  	s13 =	simm.s32 $0x3080;
	s14 =	simm.s32 $0x3880;
	s15 =	simm.s32 $0x4080  }
0x6: {  	s16 =	simm.s32 $0x4880;
	s17 =	simm.s32 $0x5080;
	s18 =	simm.s32 $0x5880  }
0x7: {  	s19 =	simm.s32 $0x6080;
	s20 =	simm.s32 $0x6880;
	s21 =	simm.s32 $0x7080  }
0x8: {  	s22 =	simm.s32 $0x7880;
	s28 =	simm.s32 $0xA080;
	s29 =	simm.s32 $0xA880  }
0x9: {  	s30 =	simm.s32 $0xB080;
	s31 =	simm.s32 $0xB880;
	s3 =	sand.u32 $0x1, s3  }
0xa: {  	[smem:$0x7FF] =	sst s2;
	s4 =	sshll.u32 s1, $0x4;
	s6 =	sshll.u32 s3, $0x3  }
0xb: {  	_ =	strace $0x8000004A;
	s23 =	ssub.s32 $0x2, s3;
	s3 =	sadd.s32 $0x1C00, s0  }
0xc: {  	[dreg:$0x5] =	wrdreg s26;
	s26 =	simm.s32 $0x9880;
	s4 =	sor.u32 s6, s4  }
0xd: {  	s8 =	sshrl.u32 s23, $0x1;
	s7 =	sadd.s32 s4, s0;
	s9 =	smul.u32 $0x300, s4  }
0xe: {  	s6 =	ssub.s32 s23, s8;
	s4 =	sadd.s32 $0x1D00, s0;
	s8 =	simm.s32 $0x80  }
0xf: {  	s23 =	simm.s32 $0x8080;
	s24 =	sadd.s32 $0x1A00, s7;
	s6 =	smax.u32 s6, $0x1  }
0x10: {  	v2 =	vlaneseq.u32;
	s7 =	simm.s32 $0x2;
	[dreg:$0x3] =	wrdreg s24;
	s25 =	sadd.s32 s5, s9  }
0x11: {  	vm0 =	vmmov $0xffff;
	v1 =	vshrl.u32 v2, $0x3;
	s5 =	sadd.s32 $0x1E00, s0;
	s9 =	simm.s32 $0x1080;
	s24 =	simm.s32 $0x8880  }
0x12: {  	v0 =	vand.u32 $0x7, v2;
	v2 =	vor.u32 $0x8, v2;
	v1 =	vmul.u32 $0x8, v1;
	s0 =	simm.s32 $0x1;
	[dreg:$0x4] =	wrdreg s25;
	s25 =	simm.s32 $0x9080  }
.LBB2_1:
0x13: {  	s1 =	rddreg [dreg:$0x3]  }
0x14: {  	[tilespmem:s2], [sflag:$0x2] =	stream.linear.gather [hbm4b:s1+s2], $0x40, $0x38;
	[tilespmem:$0xC080] =	vst v63  }
0x15: {  	_ =	swait.ge [sflag:s7], $0x40  }
0x16: {  	[sflag:s7] =	ssyncset.done $0x0  }
0x17: {  	[sflag:s7] =	ssyncadd.s32 $0xFFFFFFC0  }
0x18: {  	v3 =	vld [tilespmem:$0x0];
	_ =	sdelay $0x4  }
0x19: {  	v4 =	vshrl.u32 v3, $0x3  }
0x1a: {  	v4 =	vmul.u32 $0x30, v4  }
0x1b: {  	v3 =	vand.u32 $0x7, v3  }
0x1c: {  	v3 =	vor.u32 v3, v4  }
0x1d: {  	v4 =	vperm.xlane v3, v0;
	_ =	sdelay $0x1  }
0x1e: {  	v4 =	vadd.s32 v1, v4;
	_ =	sdelay $0x3  }
0x1f: {  	v3 =	vperm.xlane v3, v2  }
0x20: {  	[tilespmem:s8], [sflag:$0x1] =	stream.indirect_vreg.gather [hbm4b:s3+s2], $0x80, v4, vm0, $0xb8;
	[tilespmem:$0xC080] =	vst v63  }
0x21: {  	s1 =	rddreg [dreg:$0x5];
	v3 =	vadd.s32 v1, v3  }
0x22: {  	[tilespmem:s1], [sflag:$0x1] =	stream.indirect_vreg.gather [hbm4b:s4+s2], $0x80, v4, vm0, $0xb8;
	[tilespmem:$0xC080] =	vst v63  }
0x23: {  	_ = 	snop  }
0x24: {  	[tilespmem:s9], [sflag:$0x1] =	stream.indirect_vreg.gather [hbm4b:s5+s2], $0x80, v4, vm0, $0xb8;
	[tilespmem:$0xC080] =	vst v63  }
0x25: {  	_ = 	snop  }
0x26: {  	[tilespmem:s10], [sflag:$0x1] =	stream.indirect_vreg.gather [hbm4b:s3+s2], $0x80, v3, vm0, $0xb8;
	[tilespmem:$0xC080] =	vst v63  }
0x27: {  	_ = 	snop  }
0x28: {  	[tilespmem:s11], [sflag:$0x1] =	stream.indirect_vreg.gather [hbm4b:s4+s2], $0x80, v3, vm0, $0xb8;
	[tilespmem:$0xC080] =	vst v63  }
0x29: {  	_ = 	snop  }
0x2a: {  	[tilespmem:s12], [sflag:$0x1] =	stream.indirect_vreg.gather [hbm4b:s5+s2], $0x80, v3, vm0, $0xb8;
	[tilespmem:$0xC080] =	vst v63  }
0x2b: {  	v3 =	vld [tilespmem:$0x10];
	_ =	sdelay $0x4  }
0x2c: {  	v61 =	vshrl.u32 v3, $0x3  }
0x2d: {  	v4 =	vmul.u32 $0x30, v61  }
0x2e: {  	v3 =	vand.u32 $0x7, v3  }
0x2f: {  	v3 =	vor.u32 v3, v4  }
0x30: {  	v4 =	vperm.xlane v3, v0;
	_ =	sdelay $0x1  }
0x31: {  	v4 =	vadd.s32 v1, v4;
	_ =	sdelay $0x3  }
0x32: {  	v3 =	vperm.xlane v3, v2  }
0x33: {  	[tilespmem:s13], [sflag:$0x1] =	stream.indirect_vreg.gather [hbm4b:s3+s2], $0x80, v4, vm0, $0xb8;
	[tilespmem:$0xC080] =	vst v63  }
0x34: {  	v3 =	vadd.s32 v1, v3  }
0x35: {  	[tilespmem:s14], [sflag:$0x1] =	stream.indirect_vreg.gather [hbm4b:s4+s2], $0x80, v4, vm0, $0xb8;
	[tilespmem:$0xC080] =	vst v63  }
0x36: {  	_ = 	snop  }
0x37: {  	[tilespmem:s15], [sflag:$0x1] =	stream.indirect_vreg.gather [hbm4b:s5+s2], $0x80, v4, vm0, $0xb8;
	[tilespmem:$0xC080] =	vst v63  }
0x38: {  	_ = 	snop  }
0x39: {  	[tilespmem:s16], [sflag:$0x1] =	stream.indirect_vreg.gather [hbm4b:s3+s2], $0x80, v3, vm0, $0xb8;
	[tilespmem:$0xC080] =	vst v63  }
0x3a: {  	_ = 	snop  }
0x3b: {  	[tilespmem:s17], [sflag:$0x1] =	stream.indirect_vreg.gather [hbm4b:s4+s2], $0x80, v3, vm0, $0xb8;
	[tilespmem:$0xC080] =	vst v63  }
0x3c: {  	_ = 	snop  }
0x3d: {  	[tilespmem:s18], [sflag:$0x1] =	stream.indirect_vreg.gather [hbm4b:s5+s2], $0x80, v3, vm0, $0xb8;
	[tilespmem:$0xC080] =	vst v63  }
0x3e: {  	v3 =	vld [tilespmem:$0x20];
	_ =	sdelay $0x4  }
0x3f: {  	v62 =	vshrl.u32 v3, $0x3  }
0x40: {  	v4 =	vmul.u32 $0x30, v62  }
0x41: {  	v3 =	vand.u32 $0x7, v3  }
0x42: {  	v3 =	vor.u32 v3, v4  }
0x43: {  	v4 =	vperm.xlane v3, v0;
	_ =	sdelay $0x1  }
0x44: {  	v4 =	vadd.s32 v1, v4;
	_ =	sdelay $0x3  }
0x45: {  	v3 =	vperm.xlane v3, v2  }
0x46: {  	[tilespmem:s19], [sflag:$0x1] =	stream.indirect_vreg.gather [hbm4b:s3+s2], $0x80, v4, vm0, $0xb8;
	[tilespmem:$0xC080] =	vst v63  }
0x47: {  	v3 =	vadd.s32 v1, v3  }
0x48: {  	[tilespmem:s20], [sflag:$0x1] =	stream.indirect_vreg.gather [hbm4b:s4+s2], $0x80, v4, vm0, $0xb8;
	[tilespmem:$0xC080] =	vst v63  }
0x49: {  	_ = 	snop  }
0x4a: {  	[tilespmem:s21], [sflag:$0x1] =	stream.indirect_vreg.gather [hbm4b:s5+s2], $0x80, v4, vm0, $0xb8;
	[tilespmem:$0xC080] =	vst v63  }
0x4b: {  	_ = 	snop  }
0x4c: {  	[tilespmem:s22], [sflag:$0x1] =	stream.indirect_vreg.gather [hbm4b:s3+s2], $0x80, v3, vm0, $0xb8;
	[tilespmem:$0xC080] =	vst v63  }
0x4d: {  	_ = 	snop  }
0x4e: {  	[tilespmem:s23], [sflag:$0x1] =	stream.indirect_vreg.gather [hbm4b:s4+s2], $0x80, v3, vm0, $0xb8;
	[tilespmem:$0xC080] =	vst v63  }
0x4f: {  	_ = 	snop  }
0x50: {  	[tilespmem:s24], [sflag:$0x1] =	stream.indirect_vreg.gather [hbm4b:s5+s2], $0x80, v3, vm0, $0xb8;
	[tilespmem:$0xC080] =	vst v63  }
0x51: {  	v3 =	vld [tilespmem:$0x30];
	_ =	sdelay $0x4  }
0x52: {  	v63 =	vshrl.u32 v3, $0x3  }
0x53: {  	v4 =	vmul.u32 $0x30, v63  }
0x54: {  	v3 =	vand.u32 $0x7, v3  }
0x55: {  	v3 =	vor.u32 v3, v4  }
0x56: {  	v4 =	vperm.xlane v3, v0;
	_ =	sdelay $0x1  }
0x57: {  	v4 =	vadd.s32 v1, v4;
	_ =	sdelay $0x3  }
0x58: {  	v3 =	vperm.xlane v3, v2  }
0x59: {  	[tilespmem:s25], [sflag:$0x1] =	stream.indirect_vreg.gather [hbm4b:s3+s2], $0x80, v4, vm0, $0xb8;
	[tilespmem:$0xC080] =	vst v63  }
0x5a: {  	v3 =	vadd.s32 v1, v3  }
0x5b: {  	[tilespmem:s26], [sflag:$0x1] =	stream.indirect_vreg.gather [hbm4b:s4+s2], $0x80, v4, vm0, $0xb8;
	[tilespmem:$0xC080] =	vst v63  }
0x5c: {  	_ = 	snop  }
0x5d: {  	[tilespmem:s28], [sflag:$0x1] =	stream.indirect_vreg.gather [hbm4b:s5+s2], $0x80, v4, vm0, $0xb8;
	[tilespmem:$0xC080] =	vst v63  }
0x5e: {  	_ = 	snop  }
0x5f: {  	[tilespmem:s29], [sflag:$0x1] =	stream.indirect_vreg.gather [hbm4b:s3+s2], $0x80, v3, vm0, $0xb8;
	[tilespmem:$0xC080] =	vst v63  }
0x60: {  	_ = 	snop  }
0x61: {  	[tilespmem:s30], [sflag:$0x1] =	stream.indirect_vreg.gather [hbm4b:s4+s2], $0x80, v3, vm0, $0xb8;
	[tilespmem:$0xC080] =	vst v63  }
0x62: {  	_ = 	snop  }
0x63: {  	[tilespmem:s31], [sflag:$0x1] =	stream.indirect_vreg.gather [hbm4b:s5+s2], $0x80, v3, vm0, $0xb8;
	[tilespmem:$0xC080] =	vst v63  }
0x64: {  	_ =	swait.ge [sflag:s0], $0xC000  }
0x65: {  	p0 =	sne.s32 s6, $0x1;
	[sflag:s0] =	ssyncset.done $0x0  }
.Ltmp0:
0x66: {  	s1 =	rddreg [dreg:$0x4];
	[sflag:s0] =	ssyncadd.s32 $0xFFFF4000;
	(pc) =	sbr.rel @p0 .LBB2_1-.Ltmp0, $4  }
0x67: {  	[hbm4b:s1+s2] =	stream.linear.scatter [tilespmem:s8], [sflag:$0x2], $0xC000, $0x38;
	[tilespmem:$0xC080] =	vst v63  }
0x68: {  	_ =	swait.ge [sflag:s7], $0xC000  }
0x69: {  	[sflag:s7] =	ssyncset.done $0x0  }
0x6a: {  	s6 =	sadd.s32 $0xFFFFFFFF, s6;
	[sflag:s7] =	ssyncadd.s32 $0xFFFF4000  }
0x6b: {  	_ =	sfence.sel $0x180000  }
0x6c: {  	[bflag:$0x0] =	sbarrier.arrive $0xFFFF  }
0x6d: {  	_ =	strace $0x9000004A  }
0x6e: {  	s0 =	stileid.u32;
	[bflag:$0x2] =	sbarrier.arrive $0xFFFF  }
0x6f: {  	p0 =	sne.s32 s0, $0x0;
	s0 =	rddreg [dreg:$0x2]  }
0x70: {  	s0 =	sadd.s32 @!p0 $0x100000, s0  }
0x71: {  	[sflag:s0] =	ssyncadd.tile.s32 @!p0 $0x1;
	_ =	shalt  }
.Lfunc_end2:
_tile_overlayer_lowered:
.L_overlay_start_2:
0x72: {  	(tag) =	ssettag $0x2  }
0x73: {  	s0 =	rddreg [dreg:$0x0];
	s2 =	stileid.u32  }
0x74: {  	s1 =	rddreg [dreg:$0x1];
	p0 =	sne.s32 s2, $0x0  }
0x75: {  	s3 =	rddreg [dreg:$0x2];
	[bflag:$0x3] =	sbarrier.arrive $0xFFFF;
	s2 =	simm.s32 @!p0 $0x1C02  }
0x76: {  	[timem:s3], [sflag:s2] =	dma.local @!p0 [hbm:s0], s1  }
0x77: {  	s0 =	simm.s32 @!p0 $0x2  }
0x78: {  	_ =	swait.ge @!p0 [sflag:s0], s1  }
0x79: {  	s1 =	ssub.s32 @!p0 $0x0, s1;
	[sflag:s0] =	ssyncset.done @!p0 $0x0  }
0x7a: {  	[sflag:s0] =	ssyncadd.s32 @!p0 s1  }
0x7b: {  	[bflag:$0x3] =	sbarrier.arrive $0xFFFF  }
0x7c: {  	_ =	shalt  }

</sc_bundles>
